<compile_context>
chip_gen: v7x
topology: tpu7x:2x2x1
jax: 0.10.2.dev20260603
libtpu: 0.0.44.dev20260713+nightly
codegen_flags: <defaults>
</compile_context>

<pallas_src>
import functools

import jax
import jax.numpy as jnp
from jax import lax
from jax.experimental import pallas as pl
from jax.experimental.pallas import tpu as pltpu
from jax.experimental.pallas import tpu_sc as plsc

VOCAB = 1000000
EMB = 32
C = 6
B = 16384
NC = 2
NS = 16
NW = NC * NS
BPW = B // NW
CPW = BPW * C
CHUNK = 128

_mesh = plsc.VectorSubcoreMesh(core_axis_name="c", subcore_axis_name="s")


@functools.partial(
    pl.kernel,
    mesh=_mesh,
    compiler_params=pltpu.CompilerParams(
        needs_layout_passes=False, use_tc_tiling_on_sc=False),
    out_type=jax.ShapeDtypeStruct((B * C,), jnp.float32),
    scratch_types=[
        pltpu.VMEM((BPW,), jnp.int32),
        pltpu.VMEM((CPW,), jnp.int32),
        pltpu.VMEM((BPW, EMB), jnp.float32),
        pltpu.VMEM((CPW, EMB), jnp.float32),
        pltpu.VMEM((CPW,), jnp.float32),
        pltpu.SemaphoreType.DMA,
    ],
)
def _w2v(tgt_hbm, ctx_hbm, ttab_hbm, ctab_hbm, out_hbm,
         tidx_v, cidx_v, trow_v, crow_v, out_v, sem):
    wid = lax.axis_index("s") * NC + lax.axis_index("c")
    tbase = wid * BPW
    cbase = wid * CPW

    pltpu.sync_copy(tgt_hbm.at[pl.ds(tbase, BPW)], tidx_v)
    pltpu.sync_copy(ctx_hbm.at[pl.ds(cbase, CPW)], cidx_v)

    handles = []
    for j in range(BPW // CHUNK):
        handles.append(pltpu.async_copy(
            ttab_hbm.at[tidx_v.at[pl.ds(j * CHUNK, CHUNK)]],
            trow_v.at[pl.ds(j * CHUNK, CHUNK)], sem))
    for j in range(CPW // CHUNK):
        handles.append(pltpu.async_copy(
            ctab_hbm.at[cidx_v.at[pl.ds(j * CHUNK, CHUNK)]],
            crow_v.at[pl.ds(j * CHUNK, CHUNK)], sem))
    for h in handles:
        h.wait()

    iota16 = lax.iota(jnp.int32, 16)

    def body(blk, carry):
        b_vec = blk * 16 + iota16
        r_vecs = [b_vec * C + c for c in range(C)]
        acc = [jnp.zeros((16,), jnp.float32) for _ in range(C)]
        for e in range(EMB):
            col = jnp.full((16,), e, jnp.int32)
            tv = plsc.load_gather(trow_v, [b_vec, col])
            for c in range(C):
                cv = plsc.load_gather(crow_v, [r_vecs[c], col])
                acc[c] = acc[c] + tv * cv
        for c in range(C):
            plsc.store_scatter(out_v, [r_vecs[c]], acc[c])
        return carry

    lax.fori_loop(0, BPW // 16, body, 0)

    pltpu.sync_copy(out_v, out_hbm.at[pl.ds(cbase, CPW)])


def kernel(tgt, ctx, target_table, context_table):
    out = _w2v(tgt.reshape(-1), ctx.reshape(-1), target_table, context_table)
    return out.reshape(B, C)

# --- scband reference (transcript-rebuilt; emitter-appended) ---
"""Pipeline reference for scband-word2-vec-69080253988977 (READ-ONLY COPY).

The authoritative reference and input builder live on the scoring server;
editing this copy changes nothing except your own understanding.
"""

import jax, jax.numpy as jnp
import numpy as np

VOCAB = 1000000
EMB = 32
NUM_NS = 5
BATCH = 16384

def setup_inputs(seed: int = 0) -> dict:
    key = jax.random.key(seed)
    k1, k2, k3, k4 = jax.random.split(key, 4)
    tgt = jax.random.randint(k1, (BATCH, 1), 0, VOCAB, dtype=jnp.int64 if jax.config.jax_enable_x64 else jnp.int32).astype(jnp.int32)
    ctx = jax.random.randint(k2, (BATCH, NUM_NS + 1), 0, VOCAB, dtype=jnp.int64 if jax.config.jax_enable_x64 else jnp.int32).astype(jnp.int32)
    target_table = jax.random.uniform(k3, (VOCAB, EMB), dtype=jnp.float32, minval=-0.05, maxval=0.05)
    context_table = jax.random.uniform(k4, (VOCAB, EMB), dtype=jnp.float32, minval=-0.05, maxval=0.05)
    return {"tgt": tgt, "ctx": ctx, "target_table": target_table, "context_table": context_table}

def reference(tgt, ctx, target_table, context_table):
    # target_embedding lookup: [B, 1, E] -> squeeze -> [B, E]
    tgt_emb = jnp.take(target_table, tgt, axis=0)
    tgt_emb = jnp.squeeze(tgt_emb, axis=1)
    # context_embedding lookup: [B, C, E]
    ctx_emb = jnp.take(context_table, ctx, axis=0)
    # dots: einsum 'be,bce->bc'
    dots = jnp.einsum('be,bce->bc', tgt_emb, ctx_emb)
    return dots

if __name__ == "__main__":
    import jax
    _d = setup_inputs()
    print(jax.jit(kernel)(*tuple(_d.values())))

</pallas_src>

<mosaic_0001>
#map = affine_map<(d0, d1) -> (0)>
#map1 = affine_map<(d0, d1) -> (0, 0)>
module attributes {stable_mosaic.version = 14 : i64} {
  func.func @_w2v(%arg0: i32, %arg1: i32, %arg2: memref<16384xi32, #tpu.memory_space<hbm>>, %arg3: memref<98304xi32, #tpu.memory_space<hbm>>, %arg4: memref<1000000x32xf32, #tpu.memory_space<hbm>>, %arg5: memref<1000000x32xf32, #tpu.memory_space<hbm>>, %arg6: memref<98304xf32, #tpu.memory_space<hbm>>, %arg7: memref<512xi32, #tpu.memory_space<vmem>>, %arg8: memref<3072xi32, #tpu.memory_space<vmem>>, %arg9: memref<512x32xf32, #tpu.memory_space<vmem>>, %arg10: memref<3072x32xf32, #tpu.memory_space<vmem>>, %arg11: memref<3072xf32, #tpu.memory_space<vmem>>, %arg12: memref<!tpu.dma_semaphore, #tpu.memory_space<semaphore_mem>>) attributes {dimension_semantics = [#tpu.dimension_semantics<core_parallel>, #tpu.dimension_semantics<subcore_parallel>], iteration_bounds = array<i64: 2, 16>, scalar_prefetch = 0 : i64, scratch_operands = 6 : i64, tpu.core_type = #tpu.core_type<sc_vector_subcore>, window_params = [{transform_indices = #map}, {transform_indices = #map}, {transform_indices = #map1}, {transform_indices = #map1}, {transform_indices = #map}]} {
    %mul3A = arith.constant 2 : i32
    %mul3A_0 = arith.muli %arg1, %mul3A : i32
    %add3A = arith.addi %mul3A_0, %arg0 : i32
    %mul3A_1 = arith.constant 512 : i32
    %mul3A_2 = arith.muli %add3A, %mul3A_1 : i32
    %mul3A_3 = arith.constant 3072 : i32
    %mul3A_4 = arith.muli %add3A, %mul3A_3 : i32
    "tpu.region"() ({
      %run_scoped3A = tpu.sem_alloc : memref<!tpu.dma_semaphore, #tpu.memory_space<semaphore_mem>>
      %dma_start3A_456 = tpu.memref_slice %arg2[%mul3A_2] : memref<16384xi32, #tpu.memory_space<hbm>> -> memref<512xi32, #tpu.memory_space<hbm>>
      %dma_start3A_457 = tpu.memref_slice %arg2[%mul3A_2] : memref<16384xi32, #tpu.memory_space<hbm>> -> memref<512xi32, #tpu.memory_space<hbm>>
      tpu.enqueue_dma source(%dma_start3A_457 : memref<512xi32, #tpu.memory_space<hbm>>) target(%arg7 : memref<512xi32, #tpu.memory_space<vmem>>) target_semaphore(%run_scoped3A : memref<!tpu.dma_semaphore, #tpu.memory_space<semaphore_mem>>)
      %dma_wait3A_458 = tpu.memref_slice %arg2[%mul3A_2] : memref<16384xi32, #tpu.memory_space<hbm>> -> memref<512xi32, #tpu.memory_space<hbm>>
      %dma_wait3A_459 = tpu.memref_slice %arg2[%mul3A_2] : memref<16384xi32, #tpu.memory_space<hbm>> -> memref<512xi32, #tpu.memory_space<hbm>>
      tpu.wait_dma2 semaphore(%run_scoped3A : memref<!tpu.dma_semaphore, #tpu.memory_space<semaphore_mem>>) src(%dma_wait3A_459 : memref<512xi32, #tpu.memory_space<hbm>>) dst(%arg7 : memref<512xi32, #tpu.memory_space<vmem>>)
      tpu.yield
    }) : () -> ()
    "tpu.region"() ({
      %run_scoped3A = tpu.sem_alloc : memref<!tpu.dma_semaphore, #tpu.memory_space<semaphore_mem>>
      %dma_start3A_456 = tpu.memref_slice %arg3[%mul3A_4] : memref<98304xi32, #tpu.memory_space<hbm>> -> memref<3072xi32, #tpu.memory_space<hbm>>
      %dma_start3A_457 = tpu.memref_slice %arg3[%mul3A_4] : memref<98304xi32, #tpu.memory_space<hbm>> -> memref<3072xi32, #tpu.memory_space<hbm>>
      tpu.enqueue_dma source(%dma_start3A_457 : memref<3072xi32, #tpu.memory_space<hbm>>) target(%arg8 : memref<3072xi32, #tpu.memory_space<vmem>>) target_semaphore(%run_scoped3A : memref<!tpu.dma_semaphore, #tpu.memory_space<semaphore_mem>>)
      %dma_wait3A_458 = tpu.memref_slice %arg3[%mul3A_4] : memref<98304xi32, #tpu.memory_space<hbm>> -> memref<3072xi32, #tpu.memory_space<hbm>>
      %dma_wait3A_459 = tpu.memref_slice %arg3[%mul3A_4] : memref<98304xi32, #tpu.memory_space<hbm>> -> memref<3072xi32, #tpu.memory_space<hbm>>
      tpu.wait_dma2 semaphore(%run_scoped3A : memref<!tpu.dma_semaphore, #tpu.memory_space<semaphore_mem>>) src(%dma_wait3A_459 : memref<3072xi32, #tpu.memory_space<hbm>>) dst(%arg8 : memref<3072xi32, #tpu.memory_space<vmem>>)
      tpu.yield
    }) : () -> ()
    %dma_start3A = arith.constant 0 : i32
    %dma_start3A_5 = arith.constant 0 : i32
    %dma_start3A_6 = tpu.memref_slice %arg9[%dma_start3A, %dma_start3A_5] : memref<512x32xf32, #tpu.memory_space<vmem>> -> memref<128x32xf32, #tpu.memory_space<vmem>>
    %dma_start3A_7 = arith.constant 0 : i32
    %dma_start3A_8 = tpu.memref_slice %arg7[%dma_start3A_7] : memref<512xi32, #tpu.memory_space<vmem>> -> memref<128xi32, #tpu.memory_space<vmem>>
    %dma_start3A_9 = arith.constant 0 : i32
    %dma_start3A_10 = arith.constant 0 : i32
    %dma_start3A_11 = tpu.memref_slice %arg4[%dma_start3A_9, %dma_start3A_10] : memref<1000000x32xf32, #tpu.memory_space<hbm>> -> memref<1000000x32xf32, #tpu.memory_space<hbm>>
    tpu.enqueue_indirect_dma source(%dma_start3A_11 : memref<1000000x32xf32, #tpu.memory_space<hbm>>) target(%dma_start3A_6 : memref<128x32xf32, #tpu.memory_space<vmem>>) offsets(%dma_start3A_8 : memref<128xi32, #tpu.memory_space<vmem>>) semaphore(%arg12 : memref<!tpu.dma_semaphore, #tpu.memory_space<semaphore_mem>>)
    %dma_start3A_12 = arith.constant 128 : i32
    %dma_start3A_13 = arith.constant 0 : i32
    %dma_start3A_14 = tpu.memref_slice %arg9[%dma_start3A_12, %dma_start3A_13] : memref<512x32xf32, #tpu.memory_space<vmem>> -> memref<128x32xf32, #tpu.memory_space<vmem>>
    %dma_start3A_15 = arith.constant 128 : i32
    %dma_start3A_16 = tpu.memref_slice %arg7[%dma_start3A_15] : memref<512xi32, #tpu.memory_space<vmem>> -> memref<128xi32, #tpu.memory_space<vmem>>
    %dma_start3A_17 = arith.constant 0 : i32
    %dma_start3A_18 = arith.constant 0 : i32
    %dma_start3A_19 = tpu.memref_slice %arg4[%dma_start3A_17, %dma_start3A_18] : memref<1000000x32xf32, #tpu.memory_space<hbm>> -> memref<1000000x32xf32, #tpu.memory_space<hbm>>
    tpu.enqueue_indirect_dma source(%dma_start3A_19 : memref<1000000x32xf32, #tpu.memory_space<hbm>>) target(%dma_start3A_14 : memref<128x32xf32, #tpu.memory_space<vmem>>) offsets(%dma_start3A_16 : memref<128xi32, #tpu.memory_space<vmem>>) semaphore(%arg12 : memref<!tpu.dma_semaphore, #tpu.memory_space<semaphore_mem>>)
    %dma_start3A_20 = arith.constant 256 : i32
    %dma_start3A_21 = arith.constant 0 : i32
    %dma_start3A_22 = tpu.memref_slice %arg9[%dma_start3A_20, %dma_start3A_21] : memref<512x32xf32, #tpu.memory_space<vmem>> -> memref<128x32xf32, #tpu.memory_space<vmem>>
    %dma_start3A_23 = arith.constant 256 : i32
    %dma_start3A_24 = tpu.memref_slice %arg7[%dma_start3A_23] : memref<512xi32, #tpu.memory_space<vmem>> -> memref<128xi32, #tpu.memory_space<vmem>>
    %dma_start3A_25 = arith.constant 0 : i32
    %dma_start3A_26 = arith.constant 0 : i32
    %dma_start3A_27 = tpu.memref_slice %arg4[%dma_start3A_25, %dma_start3A_26] : memref<1000000x32xf32, #tpu.memory_space<hbm>> -> memref<1000000x32xf32, #tpu.memory_space<hbm>>
    tpu.enqueue_indirect_dma source(%dma_start3A_27 : memref<1000000x32xf32, #tpu.memory_space<hbm>>) target(%dma_start3A_22 : memref<128x32xf32, #tpu.memory_space<vmem>>) offsets(%dma_start3A_24 : memref<128xi32, #tpu.memory_space<vmem>>) semaphore(%arg12 : memref<!tpu.dma_semaphore, #tpu.memory_space<semaphore_mem>>)
    %dma_start3A_28 = arith.constant 384 : i32
    %dma_start3A_29 = arith.constant 0 : i32
    %dma_start3A_30 = tpu.memref_slice %arg9[%dma_start3A_28, %dma_start3A_29] : memref<512x32xf32, #tpu.memory_space<vmem>> -> memref<128x32xf32, #tpu.memory_space<vmem>>
    %dma_start3A_31 = arith.constant 384 : i32
    %dma_start3A_32 = tpu.memref_slice %arg7[%dma_start3A_31] : memref<512xi32, #tpu.memory_space<vmem>> -> memref<128xi32, #tpu.memory_space<vmem>>
    %dma_start3A_33 = arith.constant 0 : i32
    %dma_start3A_34 = arith.constant 0 : i32
    %dma_start3A_35 = tpu.memref_slice %arg4[%dma_start3A_33, %dma_start3A_34] : memref<1000000x32xf32, #tpu.memory_space<hbm>> -> memref<1000000x32xf32, #tpu.memory_space<hbm>>
    tpu.enqueue_indirect_dma source(%dma_start3A_35 : memref<1000000x32xf32, #tpu.memory_space<hbm>>) target(%dma_start3A_30 : memref<128x32xf32, #tpu.memory_space<vmem>>) offsets(%dma_start3A_32 : memref<128xi32, #tpu.memory_space<vmem>>) semaphore(%arg12 : memref<!tpu.dma_semaphore, #tpu.memory_space<semaphore_mem>>)
    %dma_start3A_36 = arith.constant 0 : i32
    %dma_start3A_37 = arith.constant 0 : i32
    %dma_start3A_38 = tpu.memref_slice %arg10[%dma_start3A_36, %dma_start3A_37] : memref<3072x32xf32, #tpu.memory_space<vmem>> -> memref<128x32xf32, #tpu.memory_space<vmem>>
    %dma_start3A_39 = arith.constant 0 : i32
    %dma_start3A_40 = tpu.memref_slice %arg8[%dma_start3A_39] : memref<3072xi32, #tpu.memory_space<vmem>> -> memref<128xi32, #tpu.memory_space<vmem>>
    %dma_start3A_41 = arith.constant 0 : i32
    %dma_start3A_42 = arith.constant 0 : i32
    %dma_start3A_43 = tpu.memref_slice %arg5[%dma_start3A_41, %dma_start3A_42] : memref<1000000x32xf32, #tpu.memory_space<hbm>> -> memref<1000000x32xf32, #tpu.memory_space<hbm>>
    tpu.enqueue_indirect_dma source(%dma_start3A_43 : memref<1000000x32xf32, #tpu.memory_space<hbm>>) target(%dma_start3A_38 : memref<128x32xf32, #tpu.memory_space<vmem>>) offsets(%dma_start3A_40 : memref<128xi32, #tpu.memory_space<vmem>>) semaphore(%arg12 : memref<!tpu.dma_semaphore, #tpu.memory_space<semaphore_mem>>)
    %dma_start3A_44 = arith.constant 128 : i32
    %dma_start3A_45 = arith.constant 0 : i32
    %dma_start3A_46 = tpu.memref_slice %arg10[%dma_start3A_44, %dma_start3A_45] : memref<3072x32xf32, #tpu.memory_space<vmem>> -> memref<128x32xf32, #tpu.memory_space<vmem>>
    %dma_start3A_47 = arith.constant 128 : i32
    %dma_start3A_48 = tpu.memref_slice %arg8[%dma_start3A_47] : memref<3072xi32, #tpu.memory_space<vmem>> -> memref<128xi32, #tpu.memory_space<vmem>>
    %dma_start3A_49 = arith.constant 0 : i32
    %dma_start3A_50 = arith.constant 0 : i32
    %dma_start3A_51 = tpu.memref_slice %arg5[%dma_start3A_49, %dma_start3A_50] : memref<1000000x32xf32, #tpu.memory_space<hbm>> -> memref<1000000x32xf32, #tpu.memory_space<hbm>>
    tpu.enqueue_indirect_dma source(%dma_start3A_51 : memref<1000000x32xf32, #tpu.memory_space<hbm>>) target(%dma_start3A_46 : memref<128x32xf32, #tpu.memory_space<vmem>>) offsets(%dma_start3A_48 : memref<128xi32, #tpu.memory_space<vmem>>) semaphore(%arg12 : memref<!tpu.dma_semaphore, #tpu.memory_space<semaphore_mem>>)
    %dma_start3A_52 = arith.constant 256 : i32
    %dma_start3A_53 = arith.constant 0 : i32
    %dma_start3A_54 = tpu.memref_slice %arg10[%dma_start3A_52, %dma_start3A_53] : memref<3072x32xf32, #tpu.memory_space<vmem>> -> memref<128x32xf32, #tpu.memory_space<vmem>>
    %dma_start3A_55 = arith.constant 256 : i32
    %dma_start3A_56 = tpu.memref_slice %arg8[%dma_start3A_55] : memref<3072xi32, #tpu.memory_space<vmem>> -> memref<128xi32, #tpu.memory_space<vmem>>
    %dma_start3A_57 = arith.constant 0 : i32
    %dma_start3A_58 = arith.constant 0 : i32
    %dma_start3A_59 = tpu.memref_slice %arg5[%dma_start3A_57, %dma_start3A_58] : memref<1000000x32xf32, #tpu.memory_space<hbm>> -> memref<1000000x32xf32, #tpu.memory_space<hbm>>
    tpu.enqueue_indirect_dma source(%dma_start3A_59 : memref<1000000x32xf32, #tpu.memory_space<hbm>>) target(%dma_start3A_54 : memref<128x32xf32, #tpu.memory_space<vmem>>) offsets(%dma_start3A_56 : memref<128xi32, #tpu.memory_space<vmem>>) semaphore(%arg12 : memref<!tpu.dma_semaphore, #tpu.memory_space<semaphore_mem>>)
    %dma_start3A_60 = arith.constant 384 : i32
    %dma_start3A_61 = arith.constant 0 : i32
    %dma_start3A_62 = tpu.memref_slice %arg10[%dma_start3A_60, %dma_start3A_61] : memref<3072x32xf32, #tpu.memory_space<vmem>> -> memref<128x32xf32, #tpu.memory_space<vmem>>
    %dma_start3A_63 = arith.constant 384 : i32
    %dma_start3A_64 = tpu.memref_slice %arg8[%dma_start3A_63] : memref<3072xi32, #tpu.memory_space<vmem>> -> memref<128xi32, #tpu.memory_space<vmem>>
    %dma_start3A_65 = arith.constant 0 : i32
    %dma_start3A_66 = arith.constant 0 : i32
    %dma_start3A_67 = tpu.memref_slice %arg5[%dma_start3A_65, %dma_start3A_66] : memref<1000000x32xf32, #tpu.memory_space<hbm>> -> memref<1000000x32xf32, #tpu.memory_space<hbm>>
    tpu.enqueue_indirect_dma source(%dma_start3A_67 : memref<1000000x32xf32, #tpu.memory_space<hbm>>) target(%dma_start3A_62 : memref<128x32xf32, #tpu.memory_space<vmem>>) offsets(%dma_start3A_64 : memref<128xi32, #tpu.memory_space<vmem>>) semaphore(%arg12 : memref<!tpu.dma_semaphore, #tpu.memory_space<semaphore_mem>>)
    %dma_start3A_68 = arith.constant 512 : i32
    %dma_start3A_69 = arith.constant 0 : i32
    %dma_start3A_70 = tpu.memref_slice %arg10[%dma_start3A_68, %dma_start3A_69] : memref<3072x32xf32, #tpu.memory_space<vmem>> -> memref<128x32xf32, #tpu.memory_space<vmem>>
    %dma_start3A_71 = arith.constant 512 : i32
    %dma_start3A_72 = tpu.memref_slice %arg8[%dma_start3A_71] : memref<3072xi32, #tpu.memory_space<vmem>> -> memref<128xi32, #tpu.memory_space<vmem>>
    %dma_start3A_73 = arith.constant 0 : i32
    %dma_start3A_74 = arith.constant 0 : i32
    %dma_start3A_75 = tpu.memref_slice %arg5[%dma_start3A_73, %dma_start3A_74] : memref<1000000x32xf32, #tpu.memory_space<hbm>> -> memref<1000000x32xf32, #tpu.memory_space<hbm>>
    tpu.enqueue_indirect_dma source(%dma_start3A_75 : memref<1000000x32xf32, #tpu.memory_space<hbm>>) target(%dma_start3A_70 : memref<128x32xf32, #tpu.memory_space<vmem>>) offsets(%dma_start3A_72 : memref<128xi32, #tpu.memory_space<vmem>>) semaphore(%arg12 : memref<!tpu.dma_semaphore, #tpu.memory_space<semaphore_mem>>)
    %dma_start3A_76 = arith.constant 640 : i32
    %dma_start3A_77 = arith.constant 0 : i32
    %dma_start3A_78 = tpu.memref_slice %arg10[%dma_start3A_76, %dma_start3A_77] : memref<3072x32xf32, #tpu.memory_space<vmem>> -> memref<128x32xf32, #tpu.memory_space<vmem>>
    %dma_start3A_79 = arith.constant 640 : i32
    %dma_start3A_80 = tpu.memref_slice %arg8[%dma_start3A_79] : memref<3072xi32, #tpu.memory_space<vmem>> -> memref<128xi32, #tpu.memory_space<vmem>>
    %dma_start3A_81 = arith.constant 0 : i32
    %dma_start3A_82 = arith.constant 0 : i32
    %dma_start3A_83 = tpu.memref_slice %arg5[%dma_start3A_81, %dma_start3A_82] : memref<1000000x32xf32, #tpu.memory_space<hbm>> -> memref<1000000x32xf32, #tpu.memory_space<hbm>>
    tpu.enqueue_indirect_dma source(%dma_start3A_83 : memref<1000000x32xf32, #tpu.memory_space<hbm>>) target(%dma_start3A_78 : memref<128x32xf32, #tpu.memory_space<vmem>>) offsets(%dma_start3A_80 : memref<128xi32, #tpu.memory_space<vmem>>) semaphore(%arg12 : memref<!tpu.dma_semaphore, #tpu.memory_space<semaphore_mem>>)
    %dma_start3A_84 = arith.constant 768 : i32
    %dma_start3A_85 = arith.constant 0 : i32
    %dma_start3A_86 = tpu.memref_slice %arg10[%dma_start3A_84, %dma_start3A_85] : memref<3072x32xf32, #tpu.memory_space<vmem>> -> memref<128x32xf32, #tpu.memory_space<vmem>>
    %dma_start3A_87 = arith.constant 768 : i32
    %dma_start3A_88 = tpu.memref_slice %arg8[%dma_start3A_87] : memref<3072xi32, #tpu.memory_space<vmem>> -> memref<128xi32, #tpu.memory_space<vmem>>
    %dma_start3A_89 = arith.constant 0 : i32
    %dma_start3A_90 = arith.constant 0 : i32
    %dma_start3A_91 = tpu.memref_slice %arg5[%dma_start3A_89, %dma_start3A_90] : memref<1000000x32xf32, #tpu.memory_space<hbm>> -> memref<1000000x32xf32, #tpu.memory_space<hbm>>
    tpu.enqueue_indirect_dma source(%dma_start3A_91 : memref<1000000x32xf32, #tpu.memory_space<hbm>>) target(%dma_start3A_86 : memref<128x32xf32, #tpu.memory_space<vmem>>) offsets(%dma_start3A_88 : memref<128xi32, #tpu.memory_space<vmem>>) semaphore(%arg12 : memref<!tpu.dma_semaphore, #tpu.memory_space<semaphore_mem>>)
    %dma_start3A_92 = arith.constant 896 : i32
    %dma_start3A_93 = arith.constant 0 : i32
    %dma_start3A_94 = tpu.memref_slice %arg10[%dma_start3A_92, %dma_start3A_93] : memref<3072x32xf32, #tpu.memory_space<vmem>> -> memref<128x32xf32, #tpu.memory_space<vmem>>
    %dma_start3A_95 = arith.constant 896 : i32
    %dma_start3A_96 = tpu.memref_slice %arg8[%dma_start3A_95] : memref<3072xi32, #tpu.memory_space<vmem>> -> memref<128xi32, #tpu.memory_space<vmem>>
    %dma_start3A_97 = arith.constant 0 : i32
    %dma_start3A_98 = arith.constant 0 : i32
    %dma_start3A_99 = tpu.memref_slice %arg5[%dma_start3A_97, %dma_start3A_98] : memref<1000000x32xf32, #tpu.memory_space<hbm>> -> memref<1000000x32xf32, #tpu.memory_space<hbm>>
    tpu.enqueue_indirect_dma source(%dma_start3A_99 : memref<1000000x32xf32, #tpu.memory_space<hbm>>) target(%dma_start3A_94 : memref<128x32xf32, #tpu.memory_space<vmem>>) offsets(%dma_start3A_96 : memref<128xi32, #tpu.memory_space<vmem>>) semaphore(%arg12 : memref<!tpu.dma_semaphore, #tpu.memory_space<semaphore_mem>>)
    %dma_start3A_100 = arith.constant 1024 : i32
    %dma_start3A_101 = arith.constant 0 : i32
    %dma_start3A_102 = tpu.memref_slice %arg10[%dma_start3A_100, %dma_start3A_101] : memref<3072x32xf32, #tpu.memory_space<vmem>> -> memref<128x32xf32, #tpu.memory_space<vmem>>
    %dma_start3A_103 = arith.constant 1024 : i32
    %dma_start3A_104 = tpu.memref_slice %arg8[%dma_start3A_103] : memref<3072xi32, #tpu.memory_space<vmem>> -> memref<128xi32, #tpu.memory_space<vmem>>
    %dma_start3A_105 = arith.constant 0 : i32
    %dma_start3A_106 = arith.constant 0 : i32
    %dma_start3A_107 = tpu.memref_slice %arg5[%dma_start3A_105, %dma_start3A_106] : memref<1000000x32xf32, #tpu.memory_space<hbm>> -> memref<1000000x32xf32, #tpu.memory_space<hbm>>
    tpu.enqueue_indirect_dma source(%dma_start3A_107 : memref<1000000x32xf32, #tpu.memory_space<hbm>>) target(%dma_start3A_102 : memref<128x32xf32, #tpu.memory_space<vmem>>) offsets(%dma_start3A_104 : memref<128xi32, #tpu.memory_space<vmem>>) semaphore(%arg12 : memref<!tpu.dma_semaphore, #tpu.memory_space<semaphore_mem>>)
    %dma_start3A_108 = arith.constant 1152 : i32
    %dma_start3A_109 = arith.constant 0 : i32
    %dma_start3A_110 = tpu.memref_slice %arg10[%dma_start3A_108, %dma_start3A_109] : memref<3072x32xf32, #tpu.memory_space<vmem>> -> memref<128x32xf32, #tpu.memory_space<vmem>>
    %dma_start3A_111 = arith.constant 1152 : i32
    %dma_start3A_112 = tpu.memref_slice %arg8[%dma_start3A_111] : memref<3072xi32, #tpu.memory_space<vmem>> -> memref<128xi32, #tpu.memory_space<vmem>>
    %dma_start3A_113 = arith.constant 0 : i32
    %dma_start3A_114 = arith.constant 0 : i32
    %dma_start3A_115 = tpu.memref_slice %arg5[%dma_start3A_113, %dma_start3A_114] : memref<1000000x32xf32, #tpu.memory_space<hbm>> -> memref<1000000x32xf32, #tpu.memory_space<hbm>>
    tpu.enqueue_indirect_dma source(%dma_start3A_115 : memref<1000000x32xf32, #tpu.memory_space<hbm>>) target(%dma_start3A_110 : memref<128x32xf32, #tpu.memory_space<vmem>>) offsets(%dma_start3A_112 : memref<128xi32, #tpu.memory_space<vmem>>) semaphore(%arg12 : memref<!tpu.dma_semaphore, #tpu.memory_space<semaphore_mem>>)
    %dma_start3A_116 = arith.constant 1280 : i32
    %dma_start3A_117 = arith.constant 0 : i32
    %dma_start3A_118 = tpu.memref_slice %arg10[%dma_start3A_116, %dma_start3A_117] : memref<3072x32xf32, #tpu.memory_space<vmem>> -> memref<128x32xf32, #tpu.memory_space<vmem>>
    %dma_start3A_119 = arith.constant 1280 : i32
    %dma_start3A_120 = tpu.memref_slice %arg8[%dma_start3A_119] : memref<3072xi32, #tpu.memory_space<vmem>> -> memref<128xi32, #tpu.memory_space<vmem>>
    %dma_start3A_121 = arith.constant 0 : i32
    %dma_start3A_122 = arith.constant 0 : i32
    %dma_start3A_123 = tpu.memref_slice %arg5[%dma_start3A_121, %dma_start3A_122] : memref<1000000x32xf32, #tpu.memory_space<hbm>> -> memref<1000000x32xf32, #tpu.memory_space<hbm>>
    tpu.enqueue_indirect_dma source(%dma_start3A_123 : memref<1000000x32xf32, #tpu.memory_space<hbm>>) target(%dma_start3A_118 : memref<128x32xf32, #tpu.memory_space<vmem>>) offsets(%dma_start3A_120 : memref<128xi32, #tpu.memory_space<vmem>>) semaphore(%arg12 : memref<!tpu.dma_semaphore, #tpu.memory_space<semaphore_mem>>)
    %dma_start3A_124 = arith.constant 1408 : i32
    %dma_start3A_125 = arith.constant 0 : i32
    %dma_start3A_126 = tpu.memref_slice %arg10[%dma_start3A_124, %dma_start3A_125] : memref<3072x32xf32, #tpu.memory_space<vmem>> -> memref<128x32xf32, #tpu.memory_space<vmem>>
    %dma_start3A_127 = arith.constant 1408 : i32
    %dma_start3A_128 = tpu.memref_slice %arg8[%dma_start3A_127] : memref<3072xi32, #tpu.memory_space<vmem>> -> memref<128xi32, #tpu.memory_space<vmem>>
    %dma_start3A_129 = arith.constant 0 : i32
    %dma_start3A_130 = arith.constant 0 : i32
    %dma_start3A_131 = tpu.memref_slice %arg5[%dma_start3A_129, %dma_start3A_130] : memref<1000000x32xf32, #tpu.memory_space<hbm>> -> memref<1000000x32xf32, #tpu.memory_space<hbm>>
    tpu.enqueue_indirect_dma source(%dma_start3A_131 : memref<1000000x32xf32, #tpu.memory_space<hbm>>) target(%dma_start3A_126 : memref<128x32xf32, #tpu.memory_space<vmem>>) offsets(%dma_start3A_128 : memref<128xi32, #tpu.memory_space<vmem>>) semaphore(%arg12 : memref<!tpu.dma_semaphore, #tpu.memory_space<semaphore_mem>>)
    %dma_start3A_132 = arith.constant 1536 : i32
    %dma_start3A_133 = arith.constant 0 : i32
    %dma_start3A_134 = tpu.memref_slice %arg10[%dma_start3A_132, %dma_start3A_133] : memref<3072x32xf32, #tpu.memory_space<vmem>> -> memref<128x32xf32, #tpu.memory_space<vmem>>
    %dma_start3A_135 = arith.constant 1536 : i32
    %dma_start3A_136 = tpu.memref_slice %arg8[%dma_start3A_135] : memref<3072xi32, #tpu.memory_space<vmem>> -> memref<128xi32, #tpu.memory_space<vmem>>
    %dma_start3A_137 = arith.constant 0 : i32
    %dma_start3A_138 = arith.constant 0 : i32
    %dma_start3A_139 = tpu.memref_slice %arg5[%dma_start3A_137, %dma_start3A_138] : memref<1000000x32xf32, #tpu.memory_space<hbm>> -> memref<1000000x32xf32, #tpu.memory_space<hbm>>
    tpu.enqueue_indirect_dma source(%dma_start3A_139 : memref<1000000x32xf32, #tpu.memory_space<hbm>>) target(%dma_start3A_134 : memref<128x32xf32, #tpu.memory_space<vmem>>) offsets(%dma_start3A_136 : memref<128xi32, #tpu.memory_space<vmem>>) semaphore(%arg12 : memref<!tpu.dma_semaphore, #tpu.memory_space<semaphore_mem>>)
    %dma_start3A_140 = arith.constant 1664 : i32
    %dma_start3A_141 = arith.constant 0 : i32
    %dma_start3A_142 = tpu.memref_slice %arg10[%dma_start3A_140, %dma_start3A_141] : memref<3072x32xf32, #tpu.memory_space<vmem>> -> memref<128x32xf32, #tpu.memory_space<vmem>>
    %dma_start3A_143 = arith.constant 1664 : i32
    %dma_start3A_144 = tpu.memref_slice %arg8[%dma_start3A_143] : memref<3072xi32, #tpu.memory_space<vmem>> -> memref<128xi32, #tpu.memory_space<vmem>>
    %dma_start3A_145 = arith.constant 0 : i32
    %dma_start3A_146 = arith.constant 0 : i32
    %dma_start3A_147 = tpu.memref_slice %arg5[%dma_start3A_145, %dma_start3A_146] : memref<1000000x32xf32, #tpu.memory_space<hbm>> -> memref<1000000x32xf32, #tpu.memory_space<hbm>>
    tpu.enqueue_indirect_dma source(%dma_start3A_147 : memref<1000000x32xf32, #tpu.memory_space<hbm>>) target(%dma_start3A_142 : memref<128x32xf32, #tpu.memory_space<vmem>>) offsets(%dma_start3A_144 : memref<128xi32, #tpu.memory_space<vmem>>) semaphore(%arg12 : memref<!tpu.dma_semaphore, #tpu.memory_space<semaphore_mem>>)
    %dma_start3A_148 = arith.constant 1792 : i32
    %dma_start3A_149 = arith.constant 0 : i32
    %dma_start3A_150 = tpu.memref_slice %arg10[%dma_start3A_148, %dma_start3A_149] : memref<3072x32xf32, #tpu.memory_space<vmem>> -> memref<128x32xf32, #tpu.memory_space<vmem>>
    %dma_start3A_151 = arith.constant 1792 : i32
    %dma_start3A_152 = tpu.memref_slice %arg8[%dma_start3A_151] : memref<3072xi32, #tpu.memory_space<vmem>> -> memref<128xi32, #tpu.memory_space<vmem>>
    %dma_start3A_153 = arith.constant 0 : i32
    %dma_start3A_154 = arith.constant 0 : i32
    %dma_start3A_155 = tpu.memref_slice %arg5[%dma_start3A_153, %dma_start3A_154] : memref<1000000x32xf32, #tpu.memory_space<hbm>> -> memref<1000000x32xf32, #tpu.memory_space<hbm>>
    tpu.enqueue_indirect_dma source(%dma_start3A_155 : memref<1000000x32xf32, #tpu.memory_space<hbm>>) target(%dma_start3A_150 : memref<128x32xf32, #tpu.memory_space<vmem>>) offsets(%dma_start3A_152 : memref<128xi32, #tpu.memory_space<vmem>>) semaphore(%arg12 : memref<!tpu.dma_semaphore, #tpu.memory_space<semaphore_mem>>)
    %dma_start3A_156 = arith.constant 1920 : i32
    %dma_start3A_157 = arith.constant 0 : i32
    %dma_start3A_158 = tpu.memref_slice %arg10[%dma_start3A_156, %dma_start3A_157] : memref<3072x32xf32, #tpu.memory_space<vmem>> -> memref<128x32xf32, #tpu.memory_space<vmem>>
    %dma_start3A_159 = arith.constant 1920 : i32
    %dma_start3A_160 = tpu.memref_slice %arg8[%dma_start3A_159] : memref<3072xi32, #tpu.memory_space<vmem>> -> memref<128xi32, #tpu.memory_space<vmem>>
    %dma_start3A_161 = arith.constant 0 : i32
    %dma_start3A_162 = arith.constant 0 : i32
    %dma_start3A_163 = tpu.memref_slice %arg5[%dma_start3A_161, %dma_start3A_162] : memref<1000000x32xf32, #tpu.memory_space<hbm>> -> memref<1000000x32xf32, #tpu.memory_space<hbm>>
    tpu.enqueue_indirect_dma source(%dma_start3A_163 : memref<1000000x32xf32, #tpu.memory_space<hbm>>) target(%dma_start3A_158 : memref<128x32xf32, #tpu.memory_space<vmem>>) offsets(%dma_start3A_160 : memref<128xi32, #tpu.memory_space<vmem>>) semaphore(%arg12 : memref<!tpu.dma_semaphore, #tpu.memory_space<semaphore_mem>>)
    %dma_start3A_164 = arith.constant 2048 : i32
    %dma_start3A_165 = arith.constant 0 : i32
    %dma_start3A_166 = tpu.memref_slice %arg10[%dma_start3A_164, %dma_start3A_165] : memref<3072x32xf32, #tpu.memory_space<vmem>> -> memref<128x32xf32, #tpu.memory_space<vmem>>
    %dma_start3A_167 = arith.constant 2048 : i32
    %dma_start3A_168 = tpu.memref_slice %arg8[%dma_start3A_167] : memref<3072xi32, #tpu.memory_space<vmem>> -> memref<128xi32, #tpu.memory_space<vmem>>
    %dma_start3A_169 = arith.constant 0 : i32
    %dma_start3A_170 = arith.constant 0 : i32
    %dma_start3A_171 = tpu.memref_slice %arg5[%dma_start3A_169, %dma_start3A_170] : memref<1000000x32xf32, #tpu.memory_space<hbm>> -> memref<1000000x32xf32, #tpu.memory_space<hbm>>
    tpu.enqueue_indirect_dma source(%dma_start3A_171 : memref<1000000x32xf32, #tpu.memory_space<hbm>>) target(%dma_start3A_166 : memref<128x32xf32, #tpu.memory_space<vmem>>) offsets(%dma_start3A_168 : memref<128xi32, #tpu.memory_space<vmem>>) semaphore(%arg12 : memref<!tpu.dma_semaphore, #tpu.memory_space<semaphore_mem>>)
    %dma_start3A_172 = arith.constant 2176 : i32
    %dma_start3A_173 = arith.constant 0 : i32
    %dma_start3A_174 = tpu.memref_slice %arg10[%dma_start3A_172, %dma_start3A_173] : memref<3072x32xf32, #tpu.memory_space<vmem>> -> memref<128x32xf32, #tpu.memory_space<vmem>>
    %dma_start3A_175 = arith.constant 2176 : i32
    %dma_start3A_176 = tpu.memref_slice %arg8[%dma_start3A_175] : memref<3072xi32, #tpu.memory_space<vmem>> -> memref<128xi32, #tpu.memory_space<vmem>>
    %dma_start3A_177 = arith.constant 0 : i32
    %dma_start3A_178 = arith.constant 0 : i32
    %dma_start3A_179 = tpu.memref_slice %arg5[%dma_start3A_177, %dma_start3A_178] : memref<1000000x32xf32, #tpu.memory_space<hbm>> -> memref<1000000x32xf32, #tpu.memory_space<hbm>>
    tpu.enqueue_indirect_dma source(%dma_start3A_179 : memref<1000000x32xf32, #tpu.memory_space<hbm>>) target(%dma_start3A_174 : memref<128x32xf32, #tpu.memory_space<vmem>>) offsets(%dma_start3A_176 : memref<128xi32, #tpu.memory_space<vmem>>) semaphore(%arg12 : memref<!tpu.dma_semaphore, #tpu.memory_space<semaphore_mem>>)
    %dma_start3A_180 = arith.constant 2304 : i32
    %dma_start3A_181 = arith.constant 0 : i32
    %dma_start3A_182 = tpu.memref_slice %arg10[%dma_start3A_180, %dma_start3A_181] : memref<3072x32xf32, #tpu.memory_space<vmem>> -> memref<128x32xf32, #tpu.memory_space<vmem>>
    %dma_start3A_183 = arith.constant 2304 : i32
    %dma_start3A_184 = tpu.memref_slice %arg8[%dma_start3A_183] : memref<3072xi32, #tpu.memory_space<vmem>> -> memref<128xi32, #tpu.memory_space<vmem>>
    %dma_start3A_185 = arith.constant 0 : i32
    %dma_start3A_186 = arith.constant 0 : i32
    %dma_start3A_187 = tpu.memref_slice %arg5[%dma_start3A_185, %dma_start3A_186] : memref<1000000x32xf32, #tpu.memory_space<hbm>> -> memref<1000000x32xf32, #tpu.memory_space<hbm>>
    tpu.enqueue_indirect_dma source(%dma_start3A_187 : memref<1000000x32xf32, #tpu.memory_space<hbm>>) target(%dma_start3A_182 : memref<128x32xf32, #tpu.memory_space<vmem>>) offsets(%dma_start3A_184 : memref<128xi32, #tpu.memory_space<vmem>>) semaphore(%arg12 : memref<!tpu.dma_semaphore, #tpu.memory_space<semaphore_mem>>)
    %dma_start3A_188 = arith.constant 2432 : i32
    %dma_start3A_189 = arith.constant 0 : i32
    %dma_start3A_190 = tpu.memref_slice %arg10[%dma_start3A_188, %dma_start3A_189] : memref<3072x32xf32, #tpu.memory_space<vmem>> -> memref<128x32xf32, #tpu.memory_space<vmem>>
    %dma_start3A_191 = arith.constant 2432 : i32
    %dma_start3A_192 = tpu.memref_slice %arg8[%dma_start3A_191] : memref<3072xi32, #tpu.memory_space<vmem>> -> memref<128xi32, #tpu.memory_space<vmem>>
    %dma_start3A_193 = arith.constant 0 : i32
    %dma_start3A_194 = arith.constant 0 : i32
    %dma_start3A_195 = tpu.memref_slice %arg5[%dma_start3A_193, %dma_start3A_194] : memref<1000000x32xf32, #tpu.memory_space<hbm>> -> memref<1000000x32xf32, #tpu.memory_space<hbm>>
    tpu.enqueue_indirect_dma source(%dma_start3A_195 : memref<1000000x32xf32, #tpu.memory_space<hbm>>) target(%dma_start3A_190 : memref<128x32xf32, #tpu.memory_space<vmem>>) offsets(%dma_start3A_192 : memref<128xi32, #tpu.memory_space<vmem>>) semaphore(%arg12 : memref<!tpu.dma_semaphore, #tpu.memory_space<semaphore_mem>>)
    %dma_start3A_196 = arith.constant 2560 : i32
    %dma_start3A_197 = arith.constant 0 : i32
    %dma_start3A_198 = tpu.memref_slice %arg10[%dma_start3A_196, %dma_start3A_197] : memref<3072x32xf32, #tpu.memory_space<vmem>> -> memref<128x32xf32, #tpu.memory_space<vmem>>
    %dma_start3A_199 = arith.constant 2560 : i32
    %dma_start3A_200 = tpu.memref_slice %arg8[%dma_start3A_199] : memref<3072xi32, #tpu.memory_space<vmem>> -> memref<128xi32, #tpu.memory_space<vmem>>
    %dma_start3A_201 = arith.constant 0 : i32
    %dma_start3A_202 = arith.constant 0 : i32
    %dma_start3A_203 = tpu.memref_slice %arg5[%dma_start3A_201, %dma_start3A_202] : memref<1000000x32xf32, #tpu.memory_space<hbm>> -> memref<1000000x32xf32, #tpu.memory_space<hbm>>
    tpu.enqueue_indirect_dma source(%dma_start3A_203 : memref<1000000x32xf32, #tpu.memory_space<hbm>>) target(%dma_start3A_198 : memref<128x32xf32, #tpu.memory_space<vmem>>) offsets(%dma_start3A_200 : memref<128xi32, #tpu.memory_space<vmem>>) semaphore(%arg12 : memref<!tpu.dma_semaphore, #tpu.memory_space<semaphore_mem>>)
    %dma_start3A_204 = arith.constant 2688 : i32
    %dma_start3A_205 = arith.constant 0 : i32
    %dma_start3A_206 = tpu.memref_slice %arg10[%dma_start3A_204, %dma_start3A_205] : memref<3072x32xf32, #tpu.memory_space<vmem>> -> memref<128x32xf32, #tpu.memory_space<vmem>>
    %dma_start3A_207 = arith.constant 2688 : i32
    %dma_start3A_208 = tpu.memref_slice %arg8[%dma_start3A_207] : memref<3072xi32, #tpu.memory_space<vmem>> -> memref<128xi32, #tpu.memory_space<vmem>>
    %dma_start3A_209 = arith.constant 0 : i32
    %dma_start3A_210 = arith.constant 0 : i32
    %dma_start3A_211 = tpu.memref_slice %arg5[%dma_start3A_209, %dma_start3A_210] : memref<1000000x32xf32, #tpu.memory_space<hbm>> -> memref<1000000x32xf32, #tpu.memory_space<hbm>>
    tpu.enqueue_indirect_dma source(%dma_start3A_211 : memref<1000000x32xf32, #tpu.memory_space<hbm>>) target(%dma_start3A_206 : memref<128x32xf32, #tpu.memory_space<vmem>>) offsets(%dma_start3A_208 : memref<128xi32, #tpu.memory_space<vmem>>) semaphore(%arg12 : memref<!tpu.dma_semaphore, #tpu.memory_space<semaphore_mem>>)
    %dma_start3A_212 = arith.constant 2816 : i32
    %dma_start3A_213 = arith.constant 0 : i32
    %dma_start3A_214 = tpu.memref_slice %arg10[%dma_start3A_212, %dma_start3A_213] : memref<3072x32xf32, #tpu.memory_space<vmem>> -> memref<128x32xf32, #tpu.memory_space<vmem>>
    %dma_start3A_215 = arith.constant 2816 : i32
    %dma_start3A_216 = tpu.memref_slice %arg8[%dma_start3A_215] : memref<3072xi32, #tpu.memory_space<vmem>> -> memref<128xi32, #tpu.memory_space<vmem>>
    %dma_start3A_217 = arith.constant 0 : i32
    %dma_start3A_218 = arith.constant 0 : i32
    %dma_start3A_219 = tpu.memref_slice %arg5[%dma_start3A_217, %dma_start3A_218] : memref<1000000x32xf32, #tpu.memory_space<hbm>> -> memref<1000000x32xf32, #tpu.memory_space<hbm>>
    tpu.enqueue_indirect_dma source(%dma_start3A_219 : memref<1000000x32xf32, #tpu.memory_space<hbm>>) target(%dma_start3A_214 : memref<128x32xf32, #tpu.memory_space<vmem>>) offsets(%dma_start3A_216 : memref<128xi32, #tpu.memory_space<vmem>>) semaphore(%arg12 : memref<!tpu.dma_semaphore, #tpu.memory_space<semaphore_mem>>)
    %dma_start3A_220 = arith.constant 2944 : i32
    %dma_start3A_221 = arith.constant 0 : i32
    %dma_start3A_222 = tpu.memref_slice %arg10[%dma_start3A_220, %dma_start3A_221] : memref<3072x32xf32, #tpu.memory_space<vmem>> -> memref<128x32xf32, #tpu.memory_space<vmem>>
    %dma_start3A_223 = arith.constant 2944 : i32
    %dma_start3A_224 = tpu.memref_slice %arg8[%dma_start3A_223] : memref<3072xi32, #tpu.memory_space<vmem>> -> memref<128xi32, #tpu.memory_space<vmem>>
    %dma_start3A_225 = arith.constant 0 : i32
    %dma_start3A_226 = arith.constant 0 : i32
    %dma_start3A_227 = tpu.memref_slice %arg5[%dma_start3A_225, %dma_start3A_226] : memref<1000000x32xf32, #tpu.memory_space<hbm>> -> memref<1000000x32xf32, #tpu.memory_space<hbm>>
    tpu.enqueue_indirect_dma source(%dma_start3A_227 : memref<1000000x32xf32, #tpu.memory_space<hbm>>) target(%dma_start3A_222 : memref<128x32xf32, #tpu.memory_space<vmem>>) offsets(%dma_start3A_224 : memref<128xi32, #tpu.memory_space<vmem>>) semaphore(%arg12 : memref<!tpu.dma_semaphore, #tpu.memory_space<semaphore_mem>>)
    %dma_wait3A = arith.constant 0 : i32
    %dma_wait3A_228 = arith.constant 0 : i32
    %dma_wait3A_229 = tpu.memref_slice %arg9[%dma_wait3A, %dma_wait3A_228] : memref<512x32xf32, #tpu.memory_space<vmem>> -> memref<128x32xf32, #tpu.memory_space<vmem>>
    %dma_wait3A_230 = arith.constant 0 : i32
    %dma_wait3A_231 = tpu.memref_slice %arg7[%dma_wait3A_230] : memref<512xi32, #tpu.memory_space<vmem>> -> memref<128xi32, #tpu.memory_space<vmem>>
    %dma_wait3A_232 = arith.constant 0 : i32
    %dma_wait3A_233 = arith.constant 0 : i32
    %dma_wait3A_234 = tpu.memref_slice %arg4[%dma_wait3A_232, %dma_wait3A_233] : memref<1000000x32xf32, #tpu.memory_space<hbm>> -> memref<1000000x32xf32, #tpu.memory_space<hbm>>
    tpu.wait_indirect_dma semaphore(%arg12 : memref<!tpu.dma_semaphore, #tpu.memory_space<semaphore_mem>>) src(%dma_wait3A_234 : memref<1000000x32xf32, #tpu.memory_space<hbm>>) dst(%dma_wait3A_229 : memref<128x32xf32, #tpu.memory_space<vmem>>)
    %dma_wait3A_235 = arith.constant 128 : i32
    %dma_wait3A_236 = arith.constant 0 : i32
    %dma_wait3A_237 = tpu.memref_slice %arg9[%dma_wait3A_235, %dma_wait3A_236] : memref<512x32xf32, #tpu.memory_space<vmem>> -> memref<128x32xf32, #tpu.memory_space<vmem>>
    %dma_wait3A_238 = arith.constant 128 : i32
    %dma_wait3A_239 = tpu.memref_slice %arg7[%dma_wait3A_238] : memref<512xi32, #tpu.memory_space<vmem>> -> memref<128xi32, #tpu.memory_space<vmem>>
    %dma_wait3A_240 = arith.constant 0 : i32
    %dma_wait3A_241 = arith.constant 0 : i32
    %dma_wait3A_242 = tpu.memref_slice %arg4[%dma_wait3A_240, %dma_wait3A_241] : memref<1000000x32xf32, #tpu.memory_space<hbm>> -> memref<1000000x32xf32, #tpu.memory_space<hbm>>
    tpu.wait_indirect_dma semaphore(%arg12 : memref<!tpu.dma_semaphore, #tpu.memory_space<semaphore_mem>>) src(%dma_wait3A_242 : memref<1000000x32xf32, #tpu.memory_space<hbm>>) dst(%dma_wait3A_237 : memref<128x32xf32, #tpu.memory_space<vmem>>)
    %dma_wait3A_243 = arith.constant 256 : i32
    %dma_wait3A_244 = arith.constant 0 : i32
    %dma_wait3A_245 = tpu.memref_slice %arg9[%dma_wait3A_243, %dma_wait3A_244] : memref<512x32xf32, #tpu.memory_space<vmem>> -> memref<128x32xf32, #tpu.memory_space<vmem>>
    %dma_wait3A_246 = arith.constant 256 : i32
    %dma_wait3A_247 = tpu.memref_slice %arg7[%dma_wait3A_246] : memref<512xi32, #tpu.memory_space<vmem>> -> memref<128xi32, #tpu.memory_space<vmem>>
    %dma_wait3A_248 = arith.constant 0 : i32
    %dma_wait3A_249 = arith.constant 0 : i32
    %dma_wait3A_250 = tpu.memref_slice %arg4[%dma_wait3A_248, %dma_wait3A_249] : memref<1000000x32xf32, #tpu.memory_space<hbm>> -> memref<1000000x32xf32, #tpu.memory_space<hbm>>
    tpu.wait_indirect_dma semaphore(%arg12 : memref<!tpu.dma_semaphore, #tpu.memory_space<semaphore_mem>>) src(%dma_wait3A_250 : memref<1000000x32xf32, #tpu.memory_space<hbm>>) dst(%dma_wait3A_245 : memref<128x32xf32, #tpu.memory_space<vmem>>)
    %dma_wait3A_251 = arith.constant 384 : i32
    %dma_wait3A_252 = arith.constant 0 : i32
    %dma_wait3A_253 = tpu.memref_slice %arg9[%dma_wait3A_251, %dma_wait3A_252] : memref<512x32xf32, #tpu.memory_space<vmem>> -> memref<128x32xf32, #tpu.memory_space<vmem>>
    %dma_wait3A_254 = arith.constant 384 : i32
    %dma_wait3A_255 = tpu.memref_slice %arg7[%dma_wait3A_254] : memref<512xi32, #tpu.memory_space<vmem>> -> memref<128xi32, #tpu.memory_space<vmem>>
    %dma_wait3A_256 = arith.constant 0 : i32
    %dma_wait3A_257 = arith.constant 0 : i32
    %dma_wait3A_258 = tpu.memref_slice %arg4[%dma_wait3A_256, %dma_wait3A_257] : memref<1000000x32xf32, #tpu.memory_space<hbm>> -> memref<1000000x32xf32, #tpu.memory_space<hbm>>
    tpu.wait_indirect_dma semaphore(%arg12 : memref<!tpu.dma_semaphore, #tpu.memory_space<semaphore_mem>>) src(%dma_wait3A_258 : memref<1000000x32xf32, #tpu.memory_space<hbm>>) dst(%dma_wait3A_253 : memref<128x32xf32, #tpu.memory_space<vmem>>)
    %dma_wait3A_259 = arith.constant 0 : i32
    %dma_wait3A_260 = arith.constant 0 : i32
    %dma_wait3A_261 = tpu.memref_slice %arg10[%dma_wait3A_259, %dma_wait3A_260] : memref<3072x32xf32, #tpu.memory_space<vmem>> -> memref<128x32xf32, #tpu.memory_space<vmem>>
    %dma_wait3A_262 = arith.constant 0 : i32
    %dma_wait3A_263 = tpu.memref_slice %arg8[%dma_wait3A_262] : memref<3072xi32, #tpu.memory_space<vmem>> -> memref<128xi32, #tpu.memory_space<vmem>>
    %dma_wait3A_264 = arith.constant 0 : i32
    %dma_wait3A_265 = arith.constant 0 : i32
    %dma_wait3A_266 = tpu.memref_slice %arg5[%dma_wait3A_264, %dma_wait3A_265] : memref<1000000x32xf32, #tpu.memory_space<hbm>> -> memref<1000000x32xf32, #tpu.memory_space<hbm>>
    tpu.wait_indirect_dma semaphore(%arg12 : memref<!tpu.dma_semaphore, #tpu.memory_space<semaphore_mem>>) src(%dma_wait3A_266 : memref<1000000x32xf32, #tpu.memory_space<hbm>>) dst(%dma_wait3A_261 : memref<128x32xf32, #tpu.memory_space<vmem>>)
    %dma_wait3A_267 = arith.constant 128 : i32
    %dma_wait3A_268 = arith.constant 0 : i32
    %dma_wait3A_269 = tpu.memref_slice %arg10[%dma_wait3A_267, %dma_wait3A_268] : memref<3072x32xf32, #tpu.memory_space<vmem>> -> memref<128x32xf32, #tpu.memory_space<vmem>>
    %dma_wait3A_270 = arith.constant 128 : i32
    %dma_wait3A_271 = tpu.memref_slice %arg8[%dma_wait3A_270] : memref<3072xi32, #tpu.memory_space<vmem>> -> memref<128xi32, #tpu.memory_space<vmem>>
    %dma_wait3A_272 = arith.constant 0 : i32
    %dma_wait3A_273 = arith.constant 0 : i32
    %dma_wait3A_274 = tpu.memref_slice %arg5[%dma_wait3A_272, %dma_wait3A_273] : memref<1000000x32xf32, #tpu.memory_space<hbm>> -> memref<1000000x32xf32, #tpu.memory_space<hbm>>
    tpu.wait_indirect_dma semaphore(%arg12 : memref<!tpu.dma_semaphore, #tpu.memory_space<semaphore_mem>>) src(%dma_wait3A_274 : memref<1000000x32xf32, #tpu.memory_space<hbm>>) dst(%dma_wait3A_269 : memref<128x32xf32, #tpu.memory_space<vmem>>)
    %dma_wait3A_275 = arith.constant 256 : i32
    %dma_wait3A_276 = arith.constant 0 : i32
    %dma_wait3A_277 = tpu.memref_slice %arg10[%dma_wait3A_275, %dma_wait3A_276] : memref<3072x32xf32, #tpu.memory_space<vmem>> -> memref<128x32xf32, #tpu.memory_space<vmem>>
    %dma_wait3A_278 = arith.constant 256 : i32
    %dma_wait3A_279 = tpu.memref_slice %arg8[%dma_wait3A_278] : memref<3072xi32, #tpu.memory_space<vmem>> -> memref<128xi32, #tpu.memory_space<vmem>>
    %dma_wait3A_280 = arith.constant 0 : i32
    %dma_wait3A_281 = arith.constant 0 : i32
    %dma_wait3A_282 = tpu.memref_slice %arg5[%dma_wait3A_280, %dma_wait3A_281] : memref<1000000x32xf32, #tpu.memory_space<hbm>> -> memref<1000000x32xf32, #tpu.memory_space<hbm>>
    tpu.wait_indirect_dma semaphore(%arg12 : memref<!tpu.dma_semaphore, #tpu.memory_space<semaphore_mem>>) src(%dma_wait3A_282 : memref<1000000x32xf32, #tpu.memory_space<hbm>>) dst(%dma_wait3A_277 : memref<128x32xf32, #tpu.memory_space<vmem>>)
    %dma_wait3A_283 = arith.constant 384 : i32
    %dma_wait3A_284 = arith.constant 0 : i32
    %dma_wait3A_285 = tpu.memref_slice %arg10[%dma_wait3A_283, %dma_wait3A_284] : memref<3072x32xf32, #tpu.memory_space<vmem>> -> memref<128x32xf32, #tpu.memory_space<vmem>>
    %dma_wait3A_286 = arith.constant 384 : i32
    %dma_wait3A_287 = tpu.memref_slice %arg8[%dma_wait3A_286] : memref<3072xi32, #tpu.memory_space<vmem>> -> memref<128xi32, #tpu.memory_space<vmem>>
    %dma_wait3A_288 = arith.constant 0 : i32
    %dma_wait3A_289 = arith.constant 0 : i32
    %dma_wait3A_290 = tpu.memref_slice %arg5[%dma_wait3A_288, %dma_wait3A_289] : memref<1000000x32xf32, #tpu.memory_space<hbm>> -> memref<1000000x32xf32, #tpu.memory_space<hbm>>
    tpu.wait_indirect_dma semaphore(%arg12 : memref<!tpu.dma_semaphore, #tpu.memory_space<semaphore_mem>>) src(%dma_wait3A_290 : memref<1000000x32xf32, #tpu.memory_space<hbm>>) dst(%dma_wait3A_285 : memref<128x32xf32, #tpu.memory_space<vmem>>)
    %dma_wait3A_291 = arith.constant 512 : i32
    %dma_wait3A_292 = arith.constant 0 : i32
    %dma_wait3A_293 = tpu.memref_slice %arg10[%dma_wait3A_291, %dma_wait3A_292] : memref<3072x32xf32, #tpu.memory_space<vmem>> -> memref<128x32xf32, #tpu.memory_space<vmem>>
    %dma_wait3A_294 = arith.constant 512 : i32
    %dma_wait3A_295 = tpu.memref_slice %arg8[%dma_wait3A_294] : memref<3072xi32, #tpu.memory_space<vmem>> -> memref<128xi32, #tpu.memory_space<vmem>>
    %dma_wait3A_296 = arith.constant 0 : i32
    %dma_wait3A_297 = arith.constant 0 : i32
    %dma_wait3A_298 = tpu.memref_slice %arg5[%dma_wait3A_296, %dma_wait3A_297] : memref<1000000x32xf32, #tpu.memory_space<hbm>> -> memref<1000000x32xf32, #tpu.memory_space<hbm>>
    tpu.wait_indirect_dma semaphore(%arg12 : memref<!tpu.dma_semaphore, #tpu.memory_space<semaphore_mem>>) src(%dma_wait3A_298 : memref<1000000x32xf32, #tpu.memory_space<hbm>>) dst(%dma_wait3A_293 : memref<128x32xf32, #tpu.memory_space<vmem>>)
    %dma_wait3A_299 = arith.constant 640 : i32
    %dma_wait3A_300 = arith.constant 0 : i32
    %dma_wait3A_301 = tpu.memref_slice %arg10[%dma_wait3A_299, %dma_wait3A_300] : memref<3072x32xf32, #tpu.memory_space<vmem>> -> memref<128x32xf32, #tpu.memory_space<vmem>>
    %dma_wait3A_302 = arith.constant 640 : i32
    %dma_wait3A_303 = tpu.memref_slice %arg8[%dma_wait3A_302] : memref<3072xi32, #tpu.memory_space<vmem>> -> memref<128xi32, #tpu.memory_space<vmem>>
    %dma_wait3A_304 = arith.constant 0 : i32
    %dma_wait3A_305 = arith.constant 0 : i32
    %dma_wait3A_306 = tpu.memref_slice %arg5[%dma_wait3A_304, %dma_wait3A_305] : memref<1000000x32xf32, #tpu.memory_space<hbm>> -> memref<1000000x32xf32, #tpu.memory_space<hbm>>
    tpu.wait_indirect_dma semaphore(%arg12 : memref<!tpu.dma_semaphore, #tpu.memory_space<semaphore_mem>>) src(%dma_wait3A_306 : memref<1000000x32xf32, #tpu.memory_space<hbm>>) dst(%dma_wait3A_301 : memref<128x32xf32, #tpu.memory_space<vmem>>)
    %dma_wait3A_307 = arith.constant 768 : i32
    %dma_wait3A_308 = arith.constant 0 : i32
    %dma_wait3A_309 = tpu.memref_slice %arg10[%dma_wait3A_307, %dma_wait3A_308] : memref<3072x32xf32, #tpu.memory_space<vmem>> -> memref<128x32xf32, #tpu.memory_space<vmem>>
    %dma_wait3A_310 = arith.constant 768 : i32
    %dma_wait3A_311 = tpu.memref_slice %arg8[%dma_wait3A_310] : memref<3072xi32, #tpu.memory_space<vmem>> -> memref<128xi32, #tpu.memory_space<vmem>>
    %dma_wait3A_312 = arith.constant 0 : i32
    %dma_wait3A_313 = arith.constant 0 : i32
    %dma_wait3A_314 = tpu.memref_slice %arg5[%dma_wait3A_312, %dma_wait3A_313] : memref<1000000x32xf32, #tpu.memory_space<hbm>> -> memref<1000000x32xf32, #tpu.memory_space<hbm>>
    tpu.wait_indirect_dma semaphore(%arg12 : memref<!tpu.dma_semaphore, #tpu.memory_space<semaphore_mem>>) src(%dma_wait3A_314 : memref<1000000x32xf32, #tpu.memory_space<hbm>>) dst(%dma_wait3A_309 : memref<128x32xf32, #tpu.memory_space<vmem>>)
    %dma_wait3A_315 = arith.constant 896 : i32
    %dma_wait3A_316 = arith.constant 0 : i32
    %dma_wait3A_317 = tpu.memref_slice %arg10[%dma_wait3A_315, %dma_wait3A_316] : memref<3072x32xf32, #tpu.memory_space<vmem>> -> memref<128x32xf32, #tpu.memory_space<vmem>>
    %dma_wait3A_318 = arith.constant 896 : i32
    %dma_wait3A_319 = tpu.memref_slice %arg8[%dma_wait3A_318] : memref<3072xi32, #tpu.memory_space<vmem>> -> memref<128xi32, #tpu.memory_space<vmem>>
    %dma_wait3A_320 = arith.constant 0 : i32
    %dma_wait3A_321 = arith.constant 0 : i32
    %dma_wait3A_322 = tpu.memref_slice %arg5[%dma_wait3A_320, %dma_wait3A_321] : memref<1000000x32xf32, #tpu.memory_space<hbm>> -> memref<1000000x32xf32, #tpu.memory_space<hbm>>
    tpu.wait_indirect_dma semaphore(%arg12 : memref<!tpu.dma_semaphore, #tpu.memory_space<semaphore_mem>>) src(%dma_wait3A_322 : memref<1000000x32xf32, #tpu.memory_space<hbm>>) dst(%dma_wait3A_317 : memref<128x32xf32, #tpu.memory_space<vmem>>)
    %dma_wait3A_323 = arith.constant 1024 : i32
    %dma_wait3A_324 = arith.constant 0 : i32
    %dma_wait3A_325 = tpu.memref_slice %arg10[%dma_wait3A_323, %dma_wait3A_324] : memref<3072x32xf32, #tpu.memory_space<vmem>> -> memref<128x32xf32, #tpu.memory_space<vmem>>
    %dma_wait3A_326 = arith.constant 1024 : i32
    %dma_wait3A_327 = tpu.memref_slice %arg8[%dma_wait3A_326] : memref<3072xi32, #tpu.memory_space<vmem>> -> memref<128xi32, #tpu.memory_space<vmem>>
    %dma_wait3A_328 = arith.constant 0 : i32
    %dma_wait3A_329 = arith.constant 0 : i32
    %dma_wait3A_330 = tpu.memref_slice %arg5[%dma_wait3A_328, %dma_wait3A_329] : memref<1000000x32xf32, #tpu.memory_space<hbm>> -> memref<1000000x32xf32, #tpu.memory_space<hbm>>
    tpu.wait_indirect_dma semaphore(%arg12 : memref<!tpu.dma_semaphore, #tpu.memory_space<semaphore_mem>>) src(%dma_wait3A_330 : memref<1000000x32xf32, #tpu.memory_space<hbm>>) dst(%dma_wait3A_325 : memref<128x32xf32, #tpu.memory_space<vmem>>)
    %dma_wait3A_331 = arith.constant 1152 : i32
    %dma_wait3A_332 = arith.constant 0 : i32
    %dma_wait3A_333 = tpu.memref_slice %arg10[%dma_wait3A_331, %dma_wait3A_332] : memref<3072x32xf32, #tpu.memory_space<vmem>> -> memref<128x32xf32, #tpu.memory_space<vmem>>
    %dma_wait3A_334 = arith.constant 1152 : i32
    %dma_wait3A_335 = tpu.memref_slice %arg8[%dma_wait3A_334] : memref<3072xi32, #tpu.memory_space<vmem>> -> memref<128xi32, #tpu.memory_space<vmem>>
    %dma_wait3A_336 = arith.constant 0 : i32
    %dma_wait3A_337 = arith.constant 0 : i32
    %dma_wait3A_338 = tpu.memref_slice %arg5[%dma_wait3A_336, %dma_wait3A_337] : memref<1000000x32xf32, #tpu.memory_space<hbm>> -> memref<1000000x32xf32, #tpu.memory_space<hbm>>
    tpu.wait_indirect_dma semaphore(%arg12 : memref<!tpu.dma_semaphore, #tpu.memory_space<semaphore_mem>>) src(%dma_wait3A_338 : memref<1000000x32xf32, #tpu.memory_space<hbm>>) dst(%dma_wait3A_333 : memref<128x32xf32, #tpu.memory_space<vmem>>)
    %dma_wait3A_339 = arith.constant 1280 : i32
    %dma_wait3A_340 = arith.constant 0 : i32
    %dma_wait3A_341 = tpu.memref_slice %arg10[%dma_wait3A_339, %dma_wait3A_340] : memref<3072x32xf32, #tpu.memory_space<vmem>> -> memref<128x32xf32, #tpu.memory_space<vmem>>
    %dma_wait3A_342 = arith.constant 1280 : i32
    %dma_wait3A_343 = tpu.memref_slice %arg8[%dma_wait3A_342] : memref<3072xi32, #tpu.memory_space<vmem>> -> memref<128xi32, #tpu.memory_space<vmem>>
    %dma_wait3A_344 = arith.constant 0 : i32
    %dma_wait3A_345 = arith.constant 0 : i32
    %dma_wait3A_346 = tpu.memref_slice %arg5[%dma_wait3A_344, %dma_wait3A_345] : memref<1000000x32xf32, #tpu.memory_space<hbm>> -> memref<1000000x32xf32, #tpu.memory_space<hbm>>
    tpu.wait_indirect_dma semaphore(%arg12 : memref<!tpu.dma_semaphore, #tpu.memory_space<semaphore_mem>>) src(%dma_wait3A_346 : memref<1000000x32xf32, #tpu.memory_space<hbm>>) dst(%dma_wait3A_341 : memref<128x32xf32, #tpu.memory_space<vmem>>)
    %dma_wait3A_347 = arith.constant 1408 : i32
    %dma_wait3A_348 = arith.constant 0 : i32
    %dma_wait3A_349 = tpu.memref_slice %arg10[%dma_wait3A_347, %dma_wait3A_348] : memref<3072x32xf32, #tpu.memory_space<vmem>> -> memref<128x32xf32, #tpu.memory_space<vmem>>
    %dma_wait3A_350 = arith.constant 1408 : i32
    %dma_wait3A_351 = tpu.memref_slice %arg8[%dma_wait3A_350] : memref<3072xi32, #tpu.memory_space<vmem>> -> memref<128xi32, #tpu.memory_space<vmem>>
    %dma_wait3A_352 = arith.constant 0 : i32
    %dma_wait3A_353 = arith.constant 0 : i32
    %dma_wait3A_354 = tpu.memref_slice %arg5[%dma_wait3A_352, %dma_wait3A_353] : memref<1000000x32xf32, #tpu.memory_space<hbm>> -> memref<1000000x32xf32, #tpu.memory_space<hbm>>
    tpu.wait_indirect_dma semaphore(%arg12 : memref<!tpu.dma_semaphore, #tpu.memory_space<semaphore_mem>>) src(%dma_wait3A_354 : memref<1000000x32xf32, #tpu.memory_space<hbm>>) dst(%dma_wait3A_349 : memref<128x32xf32, #tpu.memory_space<vmem>>)
    %dma_wait3A_355 = arith.constant 1536 : i32
    %dma_wait3A_356 = arith.constant 0 : i32
    %dma_wait3A_357 = tpu.memref_slice %arg10[%dma_wait3A_355, %dma_wait3A_356] : memref<3072x32xf32, #tpu.memory_space<vmem>> -> memref<128x32xf32, #tpu.memory_space<vmem>>
    %dma_wait3A_358 = arith.constant 1536 : i32
    %dma_wait3A_359 = tpu.memref_slice %arg8[%dma_wait3A_358] : memref<3072xi32, #tpu.memory_space<vmem>> -> memref<128xi32, #tpu.memory_space<vmem>>
    %dma_wait3A_360 = arith.constant 0 : i32
    %dma_wait3A_361 = arith.constant 0 : i32
    %dma_wait3A_362 = tpu.memref_slice %arg5[%dma_wait3A_360, %dma_wait3A_361] : memref<1000000x32xf32, #tpu.memory_space<hbm>> -> memref<1000000x32xf32, #tpu.memory_space<hbm>>
    tpu.wait_indirect_dma semaphore(%arg12 : memref<!tpu.dma_semaphore, #tpu.memory_space<semaphore_mem>>) src(%dma_wait3A_362 : memref<1000000x32xf32, #tpu.memory_space<hbm>>) dst(%dma_wait3A_357 : memref<128x32xf32, #tpu.memory_space<vmem>>)
    %dma_wait3A_363 = arith.constant 1664 : i32
    %dma_wait3A_364 = arith.constant 0 : i32
    %dma_wait3A_365 = tpu.memref_slice %arg10[%dma_wait3A_363, %dma_wait3A_364] : memref<3072x32xf32, #tpu.memory_space<vmem>> -> memref<128x32xf32, #tpu.memory_space<vmem>>
    %dma_wait3A_366 = arith.constant 1664 : i32
    %dma_wait3A_367 = tpu.memref_slice %arg8[%dma_wait3A_366] : memref<3072xi32, #tpu.memory_space<vmem>> -> memref<128xi32, #tpu.memory_space<vmem>>
    %dma_wait3A_368 = arith.constant 0 : i32
    %dma_wait3A_369 = arith.constant 0 : i32
    %dma_wait3A_370 = tpu.memref_slice %arg5[%dma_wait3A_368, %dma_wait3A_369] : memref<1000000x32xf32, #tpu.memory_space<hbm>> -> memref<1000000x32xf32, #tpu.memory_space<hbm>>
    tpu.wait_indirect_dma semaphore(%arg12 : memref<!tpu.dma_semaphore, #tpu.memory_space<semaphore_mem>>) src(%dma_wait3A_370 : memref<1000000x32xf32, #tpu.memory_space<hbm>>) dst(%dma_wait3A_365 : memref<128x32xf32, #tpu.memory_space<vmem>>)
    %dma_wait3A_371 = arith.constant 1792 : i32
    %dma_wait3A_372 = arith.constant 0 : i32
    %dma_wait3A_373 = tpu.memref_slice %arg10[%dma_wait3A_371, %dma_wait3A_372] : memref<3072x32xf32, #tpu.memory_space<vmem>> -> memref<128x32xf32, #tpu.memory_space<vmem>>
    %dma_wait3A_374 = arith.constant 1792 : i32
    %dma_wait3A_375 = tpu.memref_slice %arg8[%dma_wait3A_374] : memref<3072xi32, #tpu.memory_space<vmem>> -> memref<128xi32, #tpu.memory_space<vmem>>
    %dma_wait3A_376 = arith.constant 0 : i32
    %dma_wait3A_377 = arith.constant 0 : i32
    %dma_wait3A_378 = tpu.memref_slice %arg5[%dma_wait3A_376, %dma_wait3A_377] : memref<1000000x32xf32, #tpu.memory_space<hbm>> -> memref<1000000x32xf32, #tpu.memory_space<hbm>>
    tpu.wait_indirect_dma semaphore(%arg12 : memref<!tpu.dma_semaphore, #tpu.memory_space<semaphore_mem>>) src(%dma_wait3A_378 : memref<1000000x32xf32, #tpu.memory_space<hbm>>) dst(%dma_wait3A_373 : memref<128x32xf32, #tpu.memory_space<vmem>>)
    %dma_wait3A_379 = arith.constant 1920 : i32
    %dma_wait3A_380 = arith.constant 0 : i32
    %dma_wait3A_381 = tpu.memref_slice %arg10[%dma_wait3A_379, %dma_wait3A_380] : memref<3072x32xf32, #tpu.memory_space<vmem>> -> memref<128x32xf32, #tpu.memory_space<vmem>>
    %dma_wait3A_382 = arith.constant 1920 : i32
    %dma_wait3A_383 = tpu.memref_slice %arg8[%dma_wait3A_382] : memref<3072xi32, #tpu.memory_space<vmem>> -> memref<128xi32, #tpu.memory_space<vmem>>
    %dma_wait3A_384 = arith.constant 0 : i32
    %dma_wait3A_385 = arith.constant 0 : i32
    %dma_wait3A_386 = tpu.memref_slice %arg5[%dma_wait3A_384, %dma_wait3A_385] : memref<1000000x32xf32, #tpu.memory_space<hbm>> -> memref<1000000x32xf32, #tpu.memory_space<hbm>>
    tpu.wait_indirect_dma semaphore(%arg12 : memref<!tpu.dma_semaphore, #tpu.memory_space<semaphore_mem>>) src(%dma_wait3A_386 : memref<1000000x32xf32, #tpu.memory_space<hbm>>) dst(%dma_wait3A_381 : memref<128x32xf32, #tpu.memory_space<vmem>>)
    %dma_wait3A_387 = arith.constant 2048 : i32
    %dma_wait3A_388 = arith.constant 0 : i32
    %dma_wait3A_389 = tpu.memref_slice %arg10[%dma_wait3A_387, %dma_wait3A_388] : memref<3072x32xf32, #tpu.memory_space<vmem>> -> memref<128x32xf32, #tpu.memory_space<vmem>>
    %dma_wait3A_390 = arith.constant 2048 : i32
    %dma_wait3A_391 = tpu.memref_slice %arg8[%dma_wait3A_390] : memref<3072xi32, #tpu.memory_space<vmem>> -> memref<128xi32, #tpu.memory_space<vmem>>
    %dma_wait3A_392 = arith.constant 0 : i32
    %dma_wait3A_393 = arith.constant 0 : i32
    %dma_wait3A_394 = tpu.memref_slice %arg5[%dma_wait3A_392, %dma_wait3A_393] : memref<1000000x32xf32, #tpu.memory_space<hbm>> -> memref<1000000x32xf32, #tpu.memory_space<hbm>>
    tpu.wait_indirect_dma semaphore(%arg12 : memref<!tpu.dma_semaphore, #tpu.memory_space<semaphore_mem>>) src(%dma_wait3A_394 : memref<1000000x32xf32, #tpu.memory_space<hbm>>) dst(%dma_wait3A_389 : memref<128x32xf32, #tpu.memory_space<vmem>>)
    %dma_wait3A_395 = arith.constant 2176 : i32
    %dma_wait3A_396 = arith.constant 0 : i32
    %dma_wait3A_397 = tpu.memref_slice %arg10[%dma_wait3A_395, %dma_wait3A_396] : memref<3072x32xf32, #tpu.memory_space<vmem>> -> memref<128x32xf32, #tpu.memory_space<vmem>>
    %dma_wait3A_398 = arith.constant 2176 : i32
    %dma_wait3A_399 = tpu.memref_slice %arg8[%dma_wait3A_398] : memref<3072xi32, #tpu.memory_space<vmem>> -> memref<128xi32, #tpu.memory_space<vmem>>
    %dma_wait3A_400 = arith.constant 0 : i32
    %dma_wait3A_401 = arith.constant 0 : i32
    %dma_wait3A_402 = tpu.memref_slice %arg5[%dma_wait3A_400, %dma_wait3A_401] : memref<1000000x32xf32, #tpu.memory_space<hbm>> -> memref<1000000x32xf32, #tpu.memory_space<hbm>>
    tpu.wait_indirect_dma semaphore(%arg12 : memref<!tpu.dma_semaphore, #tpu.memory_space<semaphore_mem>>) src(%dma_wait3A_402 : memref<1000000x32xf32, #tpu.memory_space<hbm>>) dst(%dma_wait3A_397 : memref<128x32xf32, #tpu.memory_space<vmem>>)
    %dma_wait3A_403 = arith.constant 2304 : i32
    %dma_wait3A_404 = arith.constant 0 : i32
    %dma_wait3A_405 = tpu.memref_slice %arg10[%dma_wait3A_403, %dma_wait3A_404] : memref<3072x32xf32, #tpu.memory_space<vmem>> -> memref<128x32xf32, #tpu.memory_space<vmem>>
    %dma_wait3A_406 = arith.constant 2304 : i32
    %dma_wait3A_407 = tpu.memref_slice %arg8[%dma_wait3A_406] : memref<3072xi32, #tpu.memory_space<vmem>> -> memref<128xi32, #tpu.memory_space<vmem>>
    %dma_wait3A_408 = arith.constant 0 : i32
    %dma_wait3A_409 = arith.constant 0 : i32
    %dma_wait3A_410 = tpu.memref_slice %arg5[%dma_wait3A_408, %dma_wait3A_409] : memref<1000000x32xf32, #tpu.memory_space<hbm>> -> memref<1000000x32xf32, #tpu.memory_space<hbm>>
    tpu.wait_indirect_dma semaphore(%arg12 : memref<!tpu.dma_semaphore, #tpu.memory_space<semaphore_mem>>) src(%dma_wait3A_410 : memref<1000000x32xf32, #tpu.memory_space<hbm>>) dst(%dma_wait3A_405 : memref<128x32xf32, #tpu.memory_space<vmem>>)
    %dma_wait3A_411 = arith.constant 2432 : i32
    %dma_wait3A_412 = arith.constant 0 : i32
    %dma_wait3A_413 = tpu.memref_slice %arg10[%dma_wait3A_411, %dma_wait3A_412] : memref<3072x32xf32, #tpu.memory_space<vmem>> -> memref<128x32xf32, #tpu.memory_space<vmem>>
    %dma_wait3A_414 = arith.constant 2432 : i32
    %dma_wait3A_415 = tpu.memref_slice %arg8[%dma_wait3A_414] : memref<3072xi32, #tpu.memory_space<vmem>> -> memref<128xi32, #tpu.memory_space<vmem>>
    %dma_wait3A_416 = arith.constant 0 : i32
    %dma_wait3A_417 = arith.constant 0 : i32
    %dma_wait3A_418 = tpu.memref_slice %arg5[%dma_wait3A_416, %dma_wait3A_417] : memref<1000000x32xf32, #tpu.memory_space<hbm>> -> memref<1000000x32xf32, #tpu.memory_space<hbm>>
    tpu.wait_indirect_dma semaphore(%arg12 : memref<!tpu.dma_semaphore, #tpu.memory_space<semaphore_mem>>) src(%dma_wait3A_418 : memref<1000000x32xf32, #tpu.memory_space<hbm>>) dst(%dma_wait3A_413 : memref<128x32xf32, #tpu.memory_space<vmem>>)
    %dma_wait3A_419 = arith.constant 2560 : i32
    %dma_wait3A_420 = arith.constant 0 : i32
    %dma_wait3A_421 = tpu.memref_slice %arg10[%dma_wait3A_419, %dma_wait3A_420] : memref<3072x32xf32, #tpu.memory_space<vmem>> -> memref<128x32xf32, #tpu.memory_space<vmem>>
    %dma_wait3A_422 = arith.constant 2560 : i32
    %dma_wait3A_423 = tpu.memref_slice %arg8[%dma_wait3A_422] : memref<3072xi32, #tpu.memory_space<vmem>> -> memref<128xi32, #tpu.memory_space<vmem>>
    %dma_wait3A_424 = arith.constant 0 : i32
    %dma_wait3A_425 = arith.constant 0 : i32
    %dma_wait3A_426 = tpu.memref_slice %arg5[%dma_wait3A_424, %dma_wait3A_425] : memref<1000000x32xf32, #tpu.memory_space<hbm>> -> memref<1000000x32xf32, #tpu.memory_space<hbm>>
    tpu.wait_indirect_dma semaphore(%arg12 : memref<!tpu.dma_semaphore, #tpu.memory_space<semaphore_mem>>) src(%dma_wait3A_426 : memref<1000000x32xf32, #tpu.memory_space<hbm>>) dst(%dma_wait3A_421 : memref<128x32xf32, #tpu.memory_space<vmem>>)
    %dma_wait3A_427 = arith.constant 2688 : i32
    %dma_wait3A_428 = arith.constant 0 : i32
    %dma_wait3A_429 = tpu.memref_slice %arg10[%dma_wait3A_427, %dma_wait3A_428] : memref<3072x32xf32, #tpu.memory_space<vmem>> -> memref<128x32xf32, #tpu.memory_space<vmem>>
    %dma_wait3A_430 = arith.constant 2688 : i32
    %dma_wait3A_431 = tpu.memref_slice %arg8[%dma_wait3A_430] : memref<3072xi32, #tpu.memory_space<vmem>> -> memref<128xi32, #tpu.memory_space<vmem>>
    %dma_wait3A_432 = arith.constant 0 : i32
    %dma_wait3A_433 = arith.constant 0 : i32
    %dma_wait3A_434 = tpu.memref_slice %arg5[%dma_wait3A_432, %dma_wait3A_433] : memref<1000000x32xf32, #tpu.memory_space<hbm>> -> memref<1000000x32xf32, #tpu.memory_space<hbm>>
    tpu.wait_indirect_dma semaphore(%arg12 : memref<!tpu.dma_semaphore, #tpu.memory_space<semaphore_mem>>) src(%dma_wait3A_434 : memref<1000000x32xf32, #tpu.memory_space<hbm>>) dst(%dma_wait3A_429 : memref<128x32xf32, #tpu.memory_space<vmem>>)
    %dma_wait3A_435 = arith.constant 2816 : i32
    %dma_wait3A_436 = arith.constant 0 : i32
    %dma_wait3A_437 = tpu.memref_slice %arg10[%dma_wait3A_435, %dma_wait3A_436] : memref<3072x32xf32, #tpu.memory_space<vmem>> -> memref<128x32xf32, #tpu.memory_space<vmem>>
    %dma_wait3A_438 = arith.constant 2816 : i32
    %dma_wait3A_439 = tpu.memref_slice %arg8[%dma_wait3A_438] : memref<3072xi32, #tpu.memory_space<vmem>> -> memref<128xi32, #tpu.memory_space<vmem>>
    %dma_wait3A_440 = arith.constant 0 : i32
    %dma_wait3A_441 = arith.constant 0 : i32
    %dma_wait3A_442 = tpu.memref_slice %arg5[%dma_wait3A_440, %dma_wait3A_441] : memref<1000000x32xf32, #tpu.memory_space<hbm>> -> memref<1000000x32xf32, #tpu.memory_space<hbm>>
    tpu.wait_indirect_dma semaphore(%arg12 : memref<!tpu.dma_semaphore, #tpu.memory_space<semaphore_mem>>) src(%dma_wait3A_442 : memref<1000000x32xf32, #tpu.memory_space<hbm>>) dst(%dma_wait3A_437 : memref<128x32xf32, #tpu.memory_space<vmem>>)
    %dma_wait3A_443 = arith.constant 2944 : i32
    %dma_wait3A_444 = arith.constant 0 : i32
    %dma_wait3A_445 = tpu.memref_slice %arg10[%dma_wait3A_443, %dma_wait3A_444] : memref<3072x32xf32, #tpu.memory_space<vmem>> -> memref<128x32xf32, #tpu.memory_space<vmem>>
    %dma_wait3A_446 = arith.constant 2944 : i32
    %dma_wait3A_447 = tpu.memref_slice %arg8[%dma_wait3A_446] : memref<3072xi32, #tpu.memory_space<vmem>> -> memref<128xi32, #tpu.memory_space<vmem>>
    %dma_wait3A_448 = arith.constant 0 : i32
    %dma_wait3A_449 = arith.constant 0 : i32
    %dma_wait3A_450 = tpu.memref_slice %arg5[%dma_wait3A_448, %dma_wait3A_449] : memref<1000000x32xf32, #tpu.memory_space<hbm>> -> memref<1000000x32xf32, #tpu.memory_space<hbm>>
    tpu.wait_indirect_dma semaphore(%arg12 : memref<!tpu.dma_semaphore, #tpu.memory_space<semaphore_mem>>) src(%dma_wait3A_450 : memref<1000000x32xf32, #tpu.memory_space<hbm>>) dst(%dma_wait3A_445 : memref<128x32xf32, #tpu.memory_space<vmem>>)
    %iota3A = tpu.iota {dimensions = array<i32: 0>} : vector<16xi32>
    %scan3A = arith.constant 0 : i32
    %scan3A_451 = arith.constant 0 : i32
    %scan3A_452 = arith.constant 32 : i32
    %scan3A_453 = arith.addi %scan3A_451, %scan3A_452 : i32
    %scan3A_454 = arith.constant 1 : i32
    scf.for %scan3A_456 = %scan3A_451 to %scan3A_453 step %scan3A_454  : i32 {
      %mul3A_457 = arith.constant 16 : i32
      %mul3A_458 = arith.muli %scan3A_456, %mul3A_457 : i32
      %add3A_459 = vector.broadcast %mul3A_458 : i32 to vector<16xi32>
      %add3A_460 = arith.addi %add3A_459, %iota3A : vector<16xi32>
      %mul3A_461 = arith.constant 6 : i32
      %mul3A_462 = vector.broadcast %mul3A_461 : i32 to vector<16xi32>
      %mul3A_463 = arith.muli %add3A_460, %mul3A_462 : vector<16xi32>
      %add3A_464 = arith.constant 0 : i32
      %add3A_465 = vector.broadcast %add3A_464 : i32 to vector<16xi32>
      %add3A_466 = arith.addi %mul3A_463, %add3A_465 : vector<16xi32>
      %mul3A_467 = arith.constant 6 : i32
      %mul3A_468 = vector.broadcast %mul3A_467 : i32 to vector<16xi32>
      %mul3A_469 = arith.muli %add3A_460, %mul3A_468 : vector<16xi32>
      %add3A_470 = arith.constant 1 : i32
      %add3A_471 = vector.broadcast %add3A_470 : i32 to vector<16xi32>
      %add3A_472 = arith.addi %mul3A_469, %add3A_471 : vector<16xi32>
      %mul3A_473 = arith.constant 6 : i32
      %mul3A_474 = vector.broadcast %mul3A_473 : i32 to vector<16xi32>
      %mul3A_475 = arith.muli %add3A_460, %mul3A_474 : vector<16xi32>
      %add3A_476 = arith.constant 2 : i32
      %add3A_477 = vector.broadcast %add3A_476 : i32 to vector<16xi32>
      %add3A_478 = arith.addi %mul3A_475, %add3A_477 : vector<16xi32>
      %mul3A_479 = arith.constant 6 : i32
      %mul3A_480 = vector.broadcast %mul3A_479 : i32 to vector<16xi32>
      %mul3A_481 = arith.muli %add3A_460, %mul3A_480 : vector<16xi32>
      %add3A_482 = arith.constant 3 : i32
      %add3A_483 = vector.broadcast %add3A_482 : i32 to vector<16xi32>
      %add3A_484 = arith.addi %mul3A_481, %add3A_483 : vector<16xi32>
      %mul3A_485 = arith.constant 6 : i32
      %mul3A_486 = vector.broadcast %mul3A_485 : i32 to vector<16xi32>
      %mul3A_487 = arith.muli %add3A_460, %mul3A_486 : vector<16xi32>
      %add3A_488 = arith.constant 4 : i32
      %add3A_489 = vector.broadcast %add3A_488 : i32 to vector<16xi32>
      %add3A_490 = arith.addi %mul3A_487, %add3A_489 : vector<16xi32>
      %mul3A_491 = arith.constant 6 : i32
      %mul3A_492 = vector.broadcast %mul3A_491 : i32 to vector<16xi32>
      %mul3A_493 = arith.muli %add3A_460, %mul3A_492 : vector<16xi32>
      %add3A_494 = arith.constant 5 : i32
      %add3A_495 = vector.broadcast %add3A_494 : i32 to vector<16xi32>
      %add3A_496 = arith.addi %mul3A_493, %add3A_495 : vector<16xi32>
      %broadcast_in_dim3A = arith.constant 0.000000e+00 : f32
      %broadcast_in_dim3A_497 = vector.broadcast %broadcast_in_dim3A : f32 to vector<16xf32>
      %broadcast_in_dim3A_498 = arith.constant 0.000000e+00 : f32
      %broadcast_in_dim3A_499 = vector.broadcast %broadcast_in_dim3A_498 : f32 to vector<16xf32>
      %broadcast_in_dim3A_500 = arith.constant 0.000000e+00 : f32
      %broadcast_in_dim3A_501 = vector.broadcast %broadcast_in_dim3A_500 : f32 to vector<16xf32>
      %broadcast_in_dim3A_502 = arith.constant 0.000000e+00 : f32
      %broadcast_in_dim3A_503 = vector.broadcast %broadcast_in_dim3A_502 : f32 to vector<16xf32>
      %broadcast_in_dim3A_504 = arith.constant 0.000000e+00 : f32
      %broadcast_in_dim3A_505 = vector.broadcast %broadcast_in_dim3A_504 : f32 to vector<16xf32>
      %broadcast_in_dim3A_506 = arith.constant 0.000000e+00 : f32
      %broadcast_in_dim3A_507 = vector.broadcast %broadcast_in_dim3A_506 : f32 to vector<16xf32>
      %broadcast_in_dim3A_508 = arith.constant 0 : i32
      %broadcast_in_dim3A_509 = vector.broadcast %broadcast_in_dim3A_508 : i32 to vector<16xi32>
      %gather3A = tpu.vector_load_idx %arg9[%add3A_460, %broadcast_in_dim3A_509] : memref<512x32xf32, #tpu.memory_space<vmem>>[vector<16xi32>, vector<16xi32>], vector<16xf32>,
      %gather3A_510 = tpu.vector_load_idx %arg10[%add3A_466, %broadcast_in_dim3A_509] : memref<3072x32xf32, #tpu.memory_space<vmem>>[vector<16xi32>, vector<16xi32>], vector<16xf32>,
      %mul3A_511 = arith.mulf %gather3A, %gather3A_510 : vector<16xf32>
      %add3A_512 = arith.addf %broadcast_in_dim3A_497, %mul3A_511 : vector<16xf32>
      %gather3A_513 = tpu.vector_load_idx %arg10[%add3A_472, %broadcast_in_dim3A_509] : memref<3072x32xf32, #tpu.memory_space<vmem>>[vector<16xi32>, vector<16xi32>], vector<16xf32>,
      %mul3A_514 = arith.mulf %gather3A, %gather3A_513 : vector<16xf32>
      %add3A_515 = arith.addf %broadcast_in_dim3A_499, %mul3A_514 : vector<16xf32>
      %gather3A_516 = tpu.vector_load_idx %arg10[%add3A_478, %broadcast_in_dim3A_509] : memref<3072x32xf32, #tpu.memory_space<vmem>>[vector<16xi32>, vector<16xi32>], vector<16xf32>,
      %mul3A_517 = arith.mulf %gather3A, %gather3A_516 : vector<16xf32>
      %add3A_518 = arith.addf %broadcast_in_dim3A_501, %mul3A_517 : vector<16xf32>
      %gather3A_519 = tpu.vector_load_idx %arg10[%add3A_484, %broadcast_in_dim3A_509] : memref<3072x32xf32, #tpu.memory_space<vmem>>[vector<16xi32>, vector<16xi32>], vector<16xf32>,
      %mul3A_520 = arith.mulf %gather3A, %gather3A_519 : vector<16xf32>
      %add3A_521 = arith.addf %broadcast_in_dim3A_503, %mul3A_520 : vector<16xf32>
      %gather3A_522 = tpu.vector_load_idx %arg10[%add3A_490, %broadcast_in_dim3A_509] : memref<3072x32xf32, #tpu.memory_space<vmem>>[vector<16xi32>, vector<16xi32>], vector<16xf32>,
      %mul3A_523 = arith.mulf %gather3A, %gather3A_522 : vector<16xf32>
      %add3A_524 = arith.addf %broadcast_in_dim3A_505, %mul3A_523 : vector<16xf32>
      %gather3A_525 = tpu.vector_load_idx %arg10[%add3A_496, %broadcast_in_dim3A_509] : memref<3072x32xf32, #tpu.memory_space<vmem>>[vector<16xi32>, vector<16xi32>], vector<16xf32>,
      %mul3A_526 = arith.mulf %gather3A, %gather3A_525 : vector<16xf32>
      %add3A_527 = arith.addf %broadcast_in_dim3A_507, %mul3A_526 : vector<16xf32>
      %broadcast_in_dim3A_528 = arith.constant 1 : i32
      %broadcast_in_dim3A_529 = vector.broadcast %broadcast_in_dim3A_528 : i32 to vector<16xi32>
      %gather3A_530 = tpu.vector_load_idx %arg9[%add3A_460, %broadcast_in_dim3A_529] : memref<512x32xf32, #tpu.memory_space<vmem>>[vector<16xi32>, vector<16xi32>], vector<16xf32>,
      %gather3A_531 = tpu.vector_load_idx %arg10[%add3A_466, %broadcast_in_dim3A_529] : memref<3072x32xf32, #tpu.memory_space<vmem>>[vector<16xi32>, vector<16xi32>], vector<16xf32>,
      %mul3A_532 = arith.mulf %gather3A_530, %gather3A_531 : vector<16xf32>
      %add3A_533 = arith.addf %add3A_512, %mul3A_532 : vector<16xf32>
      %gather3A_534 = tpu.vector_load_idx %arg10[%add3A_472, %broadcast_in_dim3A_529] : memref<3072x32xf32, #tpu.memory_space<vmem>>[vector<16xi32>, vector<16xi32>], vector<16xf32>,
      %mul3A_535 = arith.mulf %gather3A_530, %gather3A_534 : vector<16xf32>
      %add3A_536 = arith.addf %add3A_515, %mul3A_535 : vector<16xf32>
      %gather3A_537 = tpu.vector_load_idx %arg10[%add3A_478, %broadcast_in_dim3A_529] : memref<3072x32xf32, #tpu.memory_space<vmem>>[vector<16xi32>, vector<16xi32>], vector<16xf32>,
      %mul3A_538 = arith.mulf %gather3A_530, %gather3A_537 : vector<16xf32>
      %add3A_539 = arith.addf %add3A_518, %mul3A_538 : vector<16xf32>
      %gather3A_540 = tpu.vector_load_idx %arg10[%add3A_484, %broadcast_in_dim3A_529] : memref<3072x32xf32, #tpu.memory_space<vmem>>[vector<16xi32>, vector<16xi32>], vector<16xf32>,
      %mul3A_541 = arith.mulf %gather3A_530, %gather3A_540 : vector<16xf32>
      %add3A_542 = arith.addf %add3A_521, %mul3A_541 : vector<16xf32>
      %gather3A_543 = tpu.vector_load_idx %arg10[%add3A_490, %broadcast_in_dim3A_529] : memref<3072x32xf32, #tpu.memory_space<vmem>>[vector<16xi32>, vector<16xi32>], vector<16xf32>,
      %mul3A_544 = arith.mulf %gather3A_530, %gather3A_543 : vector<16xf32>
      %add3A_545 = arith.addf %add3A_524, %mul3A_544 : vector<16xf32>
      %gather3A_546 = tpu.vector_load_idx %arg10[%add3A_496, %broadcast_in_dim3A_529] : memref<3072x32xf32, #tpu.memory_space<vmem>>[vector<16xi32>, vector<16xi32>], vector<16xf32>,
      %mul3A_547 = arith.mulf %gather3A_530, %gather3A_546 : vector<16xf32>
      %add3A_548 = arith.addf %add3A_527, %mul3A_547 : vector<16xf32>
      %broadcast_in_dim3A_549 = arith.constant 2 : i32
      %broadcast_in_dim3A_550 = vector.broadcast %broadcast_in_dim3A_549 : i32 to vector<16xi32>
      %gather3A_551 = tpu.vector_load_idx %arg9[%add3A_460, %broadcast_in_dim3A_550] : memref<512x32xf32, #tpu.memory_space<vmem>>[vector<16xi32>, vector<16xi32>], vector<16xf32>,
      %gather3A_552 = tpu.vector_load_idx %arg10[%add3A_466, %broadcast_in_dim3A_550] : memref<3072x32xf32, #tpu.memory_space<vmem>>[vector<16xi32>, vector<16xi32>], vector<16xf32>,
      %mul3A_553 = arith.mulf %gather3A_551, %gather3A_552 : vector<16xf32>
      %add3A_554 = arith.addf %add3A_533, %mul3A_553 : vector<16xf32>
      %gather3A_555 = tpu.vector_load_idx %arg10[%add3A_472, %broadcast_in_dim3A_550] : memref<3072x32xf32, #tpu.memory_space<vmem>>[vector<16xi32>, vector<16xi32>], vector<16xf32>,
      %mul3A_556 = arith.mulf %gather3A_551, %gather3A_555 : vector<16xf32>
      %add3A_557 = arith.addf %add3A_536, %mul3A_556 : vector<16xf32>
      %gather3A_558 = tpu.vector_load_idx %arg10[%add3A_478, %broadcast_in_dim3A_550] : memref<3072x32xf32, #tpu.memory_space<vmem>>[vector<16xi32>, vector<16xi32>], vector<16xf32>,
      %mul3A_559 = arith.mulf %gather3A_551, %gather3A_558 : vector<16xf32>
      %add3A_560 = arith.addf %add3A_539, %mul3A_559 : vector<16xf32>
      %gather3A_561 = tpu.vector_load_idx %arg10[%add3A_484, %broadcast_in_dim3A_550] : memref<3072x32xf32, #tpu.memory_space<vmem>>[vector<16xi32>, vector<16xi32>], vector<16xf32>,
      %mul3A_562 = arith.mulf %gather3A_551, %gather3A_561 : vector<16xf32>
      %add3A_563 = arith.addf %add3A_542, %mul3A_562 : vector<16xf32>
      %gather3A_564 = tpu.vector_load_idx %arg10[%add3A_490, %broadcast_in_dim3A_550] : memref<3072x32xf32, #tpu.memory_space<vmem>>[vector<16xi32>, vector<16xi32>], vector<16xf32>,
      %mul3A_565 = arith.mulf %gather3A_551, %gather3A_564 : vector<16xf32>
      %add3A_566 = arith.addf %add3A_545, %mul3A_565 : vector<16xf32>
      %gather3A_567 = tpu.vector_load_idx %arg10[%add3A_496, %broadcast_in_dim3A_550] : memref<3072x32xf32, #tpu.memory_space<vmem>>[vector<16xi32>, vector<16xi32>], vector<16xf32>,
      %mul3A_568 = arith.mulf %gather3A_551, %gather3A_567 : vector<16xf32>
      %add3A_569 = arith.addf %add3A_548, %mul3A_568 : vector<16xf32>
      %broadcast_in_dim3A_570 = arith.constant 3 : i32
      %broadcast_in_dim3A_571 = vector.broadcast %broadcast_in_dim3A_570 : i32 to vector<16xi32>
      %gather3A_572 = tpu.vector_load_idx %arg9[%add3A_460, %broadcast_in_dim3A_571] : memref<512x32xf32, #tpu.memory_space<vmem>>[vector<16xi32>, vector<16xi32>], vector<16xf32>,
      %gather3A_573 = tpu.vector_load_idx %arg10[%add3A_466, %broadcast_in_dim3A_571] : memref<3072x32xf32, #tpu.memory_space<vmem>>[vector<16xi32>, vector<16xi32>], vector<16xf32>,
      %mul3A_574 = arith.mulf %gather3A_572, %gather3A_573 : vector<16xf32>
      %add3A_575 = arith.addf %add3A_554, %mul3A_574 : vector<16xf32>
      %gather3A_576 = tpu.vector_load_idx %arg10[%add3A_472, %broadcast_in_dim3A_571] : memref<3072x32xf32, #tpu.memory_space<vmem>>[vector<16xi32>, vector<16xi32>], vector<16xf32>,
      %mul3A_577 = arith.mulf %gather3A_572, %gather3A_576 : vector<16xf32>
      %add3A_578 = arith.addf %add3A_557, %mul3A_577 : vector<16xf32>
      %gather3A_579 = tpu.vector_load_idx %arg10[%add3A_478, %broadcast_in_dim3A_571] : memref<3072x32xf32, #tpu.memory_space<vmem>>[vector<16xi32>, vector<16xi32>], vector<16xf32>,
      %mul3A_580 = arith.mulf %gather3A_572, %gather3A_579 : vector<16xf32>
      %add3A_581 = arith.addf %add3A_560, %mul3A_580 : vector<16xf32>
      %gather3A_582 = tpu.vector_load_idx %arg10[%add3A_484, %broadcast_in_dim3A_571] : memref<3072x32xf32, #tpu.memory_space<vmem>>[vector<16xi32>, vector<16xi32>], vector<16xf32>,
      %mul3A_583 = arith.mulf %gather3A_572, %gather3A_582 : vector<16xf32>
      %add3A_584 = arith.addf %add3A_563, %mul3A_583 : vector<16xf32>
      %gather3A_585 = tpu.vector_load_idx %arg10[%add3A_490, %broadcast_in_dim3A_571] : memref<3072x32xf32, #tpu.memory_space<vmem>>[vector<16xi32>, vector<16xi32>], vector<16xf32>,
      %mul3A_586 = arith.mulf %gather3A_572, %gather3A_585 : vector<16xf32>
      %add3A_587 = arith.addf %add3A_566, %mul3A_586 : vector<16xf32>
      %gather3A_588 = tpu.vector_load_idx %arg10[%add3A_496, %broadcast_in_dim3A_571] : memref<3072x32xf32, #tpu.memory_space<vmem>>[vector<16xi32>, vector<16xi32>], vector<16xf32>,
      %mul3A_589 = arith.mulf %gather3A_572, %gather3A_588 : vector<16xf32>
      %add3A_590 = arith.addf %add3A_569, %mul3A_589 : vector<16xf32>
      %broadcast_in_dim3A_591 = arith.constant 4 : i32
      %broadcast_in_dim3A_592 = vector.broadcast %broadcast_in_dim3A_591 : i32 to vector<16xi32>
      %gather3A_593 = tpu.vector_load_idx %arg9[%add3A_460, %broadcast_in_dim3A_592] : memref<512x32xf32, #tpu.memory_space<vmem>>[vector<16xi32>, vector<16xi32>], vector<16xf32>,
      %gather3A_594 = tpu.vector_load_idx %arg10[%add3A_466, %broadcast_in_dim3A_592] : memref<3072x32xf32, #tpu.memory_space<vmem>>[vector<16xi32>, vector<16xi32>], vector<16xf32>,
      %mul3A_595 = arith.mulf %gather3A_593, %gather3A_594 : vector<16xf32>
      %add3A_596 = arith.addf %add3A_575, %mul3A_595 : vector<16xf32>
      %gather3A_597 = tpu.vector_load_idx %arg10[%add3A_472, %broadcast_in_dim3A_592] : memref<3072x32xf32, #tpu.memory_space<vmem>>[vector<16xi32>, vector<16xi32>], vector<16xf32>,
      %mul3A_598 = arith.mulf %gather3A_593, %gather3A_597 : vector<16xf32>
      %add3A_599 = arith.addf %add3A_578, %mul3A_598 : vector<16xf32>
      %gather3A_600 = tpu.vector_load_idx %arg10[%add3A_478, %broadcast_in_dim3A_592] : memref<3072x32xf32, #tpu.memory_space<vmem>>[vector<16xi32>, vector<16xi32>], vector<16xf32>,
      %mul3A_601 = arith.mulf %gather3A_593, %gather3A_600 : vector<16xf32>
      %add3A_602 = arith.addf %add3A_581, %mul3A_601 : vector<16xf32>
      %gather3A_603 = tpu.vector_load_idx %arg10[%add3A_484, %broadcast_in_dim3A_592] : memref<3072x32xf32, #tpu.memory_space<vmem>>[vector<16xi32>, vector<16xi32>], vector<16xf32>,
      %mul3A_604 = arith.mulf %gather3A_593, %gather3A_603 : vector<16xf32>
      %add3A_605 = arith.addf %add3A_584, %mul3A_604 : vector<16xf32>
      %gather3A_606 = tpu.vector_load_idx %arg10[%add3A_490, %broadcast_in_dim3A_592] : memref<3072x32xf32, #tpu.memory_space<vmem>>[vector<16xi32>, vector<16xi32>], vector<16xf32>,
      %mul3A_607 = arith.mulf %gather3A_593, %gather3A_606 : vector<16xf32>
      %add3A_608 = arith.addf %add3A_587, %mul3A_607 : vector<16xf32>
      %gather3A_609 = tpu.vector_load_idx %arg10[%add3A_496, %broadcast_in_dim3A_592] : memref<3072x32xf32, #tpu.memory_space<vmem>>[vector<16xi32>, vector<16xi32>], vector<16xf32>,
      %mul3A_610 = arith.mulf %gather3A_593, %gather3A_609 : vector<16xf32>
      %add3A_611 = arith.addf %add3A_590, %mul3A_610 : vector<16xf32>
      %broadcast_in_dim3A_612 = arith.constant 5 : i32
      %broadcast_in_dim3A_613 = vector.broadcast %broadcast_in_dim3A_612 : i32 to vector<16xi32>
      %gather3A_614 = tpu.vector_load_idx %arg9[%add3A_460, %broadcast_in_dim3A_613] : memref<512x32xf32, #tpu.memory_space<vmem>>[vector<16xi32>, vector<16xi32>], vector<16xf32>,
      %gather3A_615 = tpu.vector_load_idx %arg10[%add3A_466, %broadcast_in_dim3A_613] : memref<3072x32xf32, #tpu.memory_space<vmem>>[vector<16xi32>, vector<16xi32>], vector<16xf32>,
      %mul3A_616 = arith.mulf %gather3A_614, %gather3A_615 : vector<16xf32>
      %add3A_617 = arith.addf %add3A_596, %mul3A_616 : vector<16xf32>
      %gather3A_618 = tpu.vector_load_idx %arg10[%add3A_472, %broadcast_in_dim3A_613] : memref<3072x32xf32, #tpu.memory_space<vmem>>[vector<16xi32>, vector<16xi32>], vector<16xf32>,
      %mul3A_619 = arith.mulf %gather3A_614, %gather3A_618 : vector<16xf32>
      %add3A_620 = arith.addf %add3A_599, %mul3A_619 : vector<16xf32>
      %gather3A_621 = tpu.vector_load_idx %arg10[%add3A_478, %broadcast_in_dim3A_613] : memref<3072x32xf32, #tpu.memory_space<vmem>>[vector<16xi32>, vector<16xi32>], vector<16xf32>,
      %mul3A_622 = arith.mulf %gather3A_614, %gather3A_621 : vector<16xf32>
      %add3A_623 = arith.addf %add3A_602, %mul3A_622 : vector<16xf32>
      %gather3A_624 = tpu.vector_load_idx %arg10[%add3A_484, %broadcast_in_dim3A_613] : memref<3072x32xf32, #tpu.memory_space<vmem>>[vector<16xi32>, vector<16xi32>], vector<16xf32>,
      %mul3A_625 = arith.mulf %gather3A_614, %gather3A_624 : vector<16xf32>
      %add3A_626 = arith.addf %add3A_605, %mul3A_625 : vector<16xf32>
      %gather3A_627 = tpu.vector_load_idx %arg10[%add3A_490, %broadcast_in_dim3A_613] : memref<3072x32xf32, #tpu.memory_space<vmem>>[vector<16xi32>, vector<16xi32>], vector<16xf32>,
      %mul3A_628 = arith.mulf %gather3A_614, %gather3A_627 : vector<16xf32>
      %add3A_629 = arith.addf %add3A_608, %mul3A_628 : vector<16xf32>
      %gather3A_630 = tpu.vector_load_idx %arg10[%add3A_496, %broadcast_in_dim3A_613] : memref<3072x32xf32, #tpu.memory_space<vmem>>[vector<16xi32>, vector<16xi32>], vector<16xf32>,
      %mul3A_631 = arith.mulf %gather3A_614, %gather3A_630 : vector<16xf32>
      %add3A_632 = arith.addf %add3A_611, %mul3A_631 : vector<16xf32>
      %broadcast_in_dim3A_633 = arith.constant 6 : i32
      %broadcast_in_dim3A_634 = vector.broadcast %broadcast_in_dim3A_633 : i32 to vector<16xi32>
      %gather3A_635 = tpu.vector_load_idx %arg9[%add3A_460, %broadcast_in_dim3A_634] : memref<512x32xf32, #tpu.memory_space<vmem>>[vector<16xi32>, vector<16xi32>], vector<16xf32>,
      %gather3A_636 = tpu.vector_load_idx %arg10[%add3A_466, %broadcast_in_dim3A_634] : memref<3072x32xf32, #tpu.memory_space<vmem>>[vector<16xi32>, vector<16xi32>], vector<16xf32>,
      %mul3A_637 = arith.mulf %gather3A_635, %gather3A_636 : vector<16xf32>
      %add3A_638 = arith.addf %add3A_617, %mul3A_637 : vector<16xf32>
      %gather3A_639 = tpu.vector_load_idx %arg10[%add3A_472, %broadcast_in_dim3A_634] : memref<3072x32xf32, #tpu.memory_space<vmem>>[vector<16xi32>, vector<16xi32>], vector<16xf32>,
      %mul3A_640 = arith.mulf %gather3A_635, %gather3A_639 : vector<16xf32>
      %add3A_641 = arith.addf %add3A_620, %mul3A_640 : vector<16xf32>
      %gather3A_642 = tpu.vector_load_idx %arg10[%add3A_478, %broadcast_in_dim3A_634] : memref<3072x32xf32, #tpu.memory_space<vmem>>[vector<16xi32>, vector<16xi32>], vector<16xf32>,
      %mul3A_643 = arith.mulf %gather3A_635, %gather3A_642 : vector<16xf32>
      %add3A_644 = arith.addf %add3A_623, %mul3A_643 : vector<16xf32>
      %gather3A_645 = tpu.vector_load_idx %arg10[%add3A_484, %broadcast_in_dim3A_634] : memref<3072x32xf32, #tpu.memory_space<vmem>>[vector<16xi32>, vector<16xi32>], vector<16xf32>,
      %mul3A_646 = arith.mulf %gather3A_635, %gather3A_645 : vector<16xf32>
      %add3A_647 = arith.addf %add3A_626, %mul3A_646 : vector<16xf32>
      %gather3A_648 = tpu.vector_load_idx %arg10[%add3A_490, %broadcast_in_dim3A_634] : memref<3072x32xf32, #tpu.memory_space<vmem>>[vector<16xi32>, vector<16xi32>], vector<16xf32>,
      %mul3A_649 = arith.mulf %gather3A_635, %gather3A_648 : vector<16xf32>
      %add3A_650 = arith.addf %add3A_629, %mul3A_649 : vector<16xf32>
      %gather3A_651 = tpu.vector_load_idx %arg10[%add3A_496, %broadcast_in_dim3A_634] : memref<3072x32xf32, #tpu.memory_space<vmem>>[vector<16xi32>, vector<16xi32>], vector<16xf32>,
      %mul3A_652 = arith.mulf %gather3A_635, %gather3A_651 : vector<16xf32>
      %add3A_653 = arith.addf %add3A_632, %mul3A_652 : vector<16xf32>
      %broadcast_in_dim3A_654 = arith.constant 7 : i32
      %broadcast_in_dim3A_655 = vector.broadcast %broadcast_in_dim3A_654 : i32 to vector<16xi32>
      %gather3A_656 = tpu.vector_load_idx %arg9[%add3A_460, %broadcast_in_dim3A_655] : memref<512x32xf32, #tpu.memory_space<vmem>>[vector<16xi32>, vector<16xi32>], vector<16xf32>,
      %gather3A_657 = tpu.vector_load_idx %arg10[%add3A_466, %broadcast_in_dim3A_655] : memref<3072x32xf32, #tpu.memory_space<vmem>>[vector<16xi32>, vector<16xi32>], vector<16xf32>,
      %mul3A_658 = arith.mulf %gather3A_656, %gather3A_657 : vector<16xf32>
      %add3A_659 = arith.addf %add3A_638, %mul3A_658 : vector<16xf32>
      %gather3A_660 = tpu.vector_load_idx %arg10[%add3A_472, %broadcast_in_dim3A_655] : memref<3072x32xf32, #tpu.memory_space<vmem>>[vector<16xi32>, vector<16xi32>], vector<16xf32>,
      %mul3A_661 = arith.mulf %gather3A_656, %gather3A_660 : vector<16xf32>
      %add3A_662 = arith.addf %add3A_641, %mul3A_661 : vector<16xf32>
      %gather3A_663 = tpu.vector_load_idx %arg10[%add3A_478, %broadcast_in_dim3A_655] : memref<3072x32xf32, #tpu.memory_space<vmem>>[vector<16xi32>, vector<16xi32>], vector<16xf32>,
      %mul3A_664 = arith.mulf %gather3A_656, %gather3A_663 : vector<16xf32>
      %add3A_665 = arith.addf %add3A_644, %mul3A_664 : vector<16xf32>
      %gather3A_666 = tpu.vector_load_idx %arg10[%add3A_484, %broadcast_in_dim3A_655] : memref<3072x32xf32, #tpu.memory_space<vmem>>[vector<16xi32>, vector<16xi32>], vector<16xf32>,
      %mul3A_667 = arith.mulf %gather3A_656, %gather3A_666 : vector<16xf32>
      %add3A_668 = arith.addf %add3A_647, %mul3A_667 : vector<16xf32>
      %gather3A_669 = tpu.vector_load_idx %arg10[%add3A_490, %broadcast_in_dim3A_655] : memref<3072x32xf32, #tpu.memory_space<vmem>>[vector<16xi32>, vector<16xi32>], vector<16xf32>,
      %mul3A_670 = arith.mulf %gather3A_656, %gather3A_669 : vector<16xf32>
      %add3A_671 = arith.addf %add3A_650, %mul3A_670 : vector<16xf32>
      %gather3A_672 = tpu.vector_load_idx %arg10[%add3A_496, %broadcast_in_dim3A_655] : memref<3072x32xf32, #tpu.memory_space<vmem>>[vector<16xi32>, vector<16xi32>], vector<16xf32>,
      %mul3A_673 = arith.mulf %gather3A_656, %gather3A_672 : vector<16xf32>
      %add3A_674 = arith.addf %add3A_653, %mul3A_673 : vector<16xf32>
      %broadcast_in_dim3A_675 = arith.constant 8 : i32
      %broadcast_in_dim3A_676 = vector.broadcast %broadcast_in_dim3A_675 : i32 to vector<16xi32>
      %gather3A_677 = tpu.vector_load_idx %arg9[%add3A_460, %broadcast_in_dim3A_676] : memref<512x32xf32, #tpu.memory_space<vmem>>[vector<16xi32>, vector<16xi32>], vector<16xf32>,
      %gather3A_678 = tpu.vector_load_idx %arg10[%add3A_466, %broadcast_in_dim3A_676] : memref<3072x32xf32, #tpu.memory_space<vmem>>[vector<16xi32>, vector<16xi32>], vector<16xf32>,
      %mul3A_679 = arith.mulf %gather3A_677, %gather3A_678 : vector<16xf32>
      %add3A_680 = arith.addf %add3A_659, %mul3A_679 : vector<16xf32>
      %gather3A_681 = tpu.vector_load_idx %arg10[%add3A_472, %broadcast_in_dim3A_676] : memref<3072x32xf32, #tpu.memory_space<vmem>>[vector<16xi32>, vector<16xi32>], vector<16xf32>,
      %mul3A_682 = arith.mulf %gather3A_677, %gather3A_681 : vector<16xf32>
      %add3A_683 = arith.addf %add3A_662, %mul3A_682 : vector<16xf32>
      %gather3A_684 = tpu.vector_load_idx %arg10[%add3A_478, %broadcast_in_dim3A_676] : memref<3072x32xf32, #tpu.memory_space<vmem>>[vector<16xi32>, vector<16xi32>], vector<16xf32>,
      %mul3A_685 = arith.mulf %gather3A_677, %gather3A_684 : vector<16xf32>
      %add3A_686 = arith.addf %add3A_665, %mul3A_685 : vector<16xf32>
      %gather3A_687 = tpu.vector_load_idx %arg10[%add3A_484, %broadcast_in_dim3A_676] : memref<3072x32xf32, #tpu.memory_space<vmem>>[vector<16xi32>, vector<16xi32>], vector<16xf32>,
      %mul3A_688 = arith.mulf %gather3A_677, %gather3A_687 : vector<16xf32>
      %add3A_689 = arith.addf %add3A_668, %mul3A_688 : vector<16xf32>
      %gather3A_690 = tpu.vector_load_idx %arg10[%add3A_490, %broadcast_in_dim3A_676] : memref<3072x32xf32, #tpu.memory_space<vmem>>[vector<16xi32>, vector<16xi32>], vector<16xf32>,
      %mul3A_691 = arith.mulf %gather3A_677, %gather3A_690 : vector<16xf32>
      %add3A_692 = arith.addf %add3A_671, %mul3A_691 : vector<16xf32>
      %gather3A_693 = tpu.vector_load_idx %arg10[%add3A_496, %broadcast_in_dim3A_676] : memref<3072x32xf32, #tpu.memory_space<vmem>>[vector<16xi32>, vector<16xi32>], vector<16xf32>,
      %mul3A_694 = arith.mulf %gather3A_677, %gather3A_693 : vector<16xf32>
      %add3A_695 = arith.addf %add3A_674, %mul3A_694 : vector<16xf32>
      %broadcast_in_dim3A_696 = arith.constant 9 : i32
      %broadcast_in_dim3A_697 = vector.broadcast %broadcast_in_dim3A_696 : i32 to vector<16xi32>
      %gather3A_698 = tpu.vector_load_idx %arg9[%add3A_460, %broadcast_in_dim3A_697] : memref<512x32xf32, #tpu.memory_space<vmem>>[vector<16xi32>, vector<16xi32>], vector<16xf32>,
      %gather3A_699 = tpu.vector_load_idx %arg10[%add3A_466, %broadcast_in_dim3A_697] : memref<3072x32xf32, #tpu.memory_space<vmem>>[vector<16xi32>, vector<16xi32>], vector<16xf32>,
      %mul3A_700 = arith.mulf %gather3A_698, %gather3A_699 : vector<16xf32>
      %add3A_701 = arith.addf %add3A_680, %mul3A_700 : vector<16xf32>
      %gather3A_702 = tpu.vector_load_idx %arg10[%add3A_472, %broadcast_in_dim3A_697] : memref<3072x32xf32, #tpu.memory_space<vmem>>[vector<16xi32>, vector<16xi32>], vector<16xf32>,
      %mul3A_703 = arith.mulf %gather3A_698, %gather3A_702 : vector<16xf32>
      %add3A_704 = arith.addf %add3A_683, %mul3A_703 : vector<16xf32>
      %gather3A_705 = tpu.vector_load_idx %arg10[%add3A_478, %broadcast_in_dim3A_697] : memref<3072x32xf32, #tpu.memory_space<vmem>>[vector<16xi32>, vector<16xi32>], vector<16xf32>,
      %mul3A_706 = arith.mulf %gather3A_698, %gather3A_705 : vector<16xf32>
      %add3A_707 = arith.addf %add3A_686, %mul3A_706 : vector<16xf32>
      %gather3A_708 = tpu.vector_load_idx %arg10[%add3A_484, %broadcast_in_dim3A_697] : memref<3072x32xf32, #tpu.memory_space<vmem>>[vector<16xi32>, vector<16xi32>], vector<16xf32>,
      %mul3A_709 = arith.mulf %gather3A_698, %gather3A_708 : vector<16xf32>
      %add3A_710 = arith.addf %add3A_689, %mul3A_709 : vector<16xf32>
      %gather3A_711 = tpu.vector_load_idx %arg10[%add3A_490, %broadcast_in_dim3A_697] : memref<3072x32xf32, #tpu.memory_space<vmem>>[vector<16xi32>, vector<16xi32>], vector<16xf32>,
      %mul3A_712 = arith.mulf %gather3A_698, %gather3A_711 : vector<16xf32>
      %add3A_713 = arith.addf %add3A_692, %mul3A_712 : vector<16xf32>
      %gather3A_714 = tpu.vector_load_idx %arg10[%add3A_496, %broadcast_in_dim3A_697] : memref<3072x32xf32, #tpu.memory_space<vmem>>[vector<16xi32>, vector<16xi32>], vector<16xf32>,
      %mul3A_715 = arith.mulf %gather3A_698, %gather3A_714 : vector<16xf32>
      %add3A_716 = arith.addf %add3A_695, %mul3A_715 : vector<16xf32>
      %broadcast_in_dim3A_717 = arith.constant 10 : i32
      %broadcast_in_dim3A_718 = vector.broadcast %broadcast_in_dim3A_717 : i32 to vector<16xi32>
      %gather3A_719 = tpu.vector_load_idx %arg9[%add3A_460, %broadcast_in_dim3A_718] : memref<512x32xf32, #tpu.memory_space<vmem>>[vector<16xi32>, vector<16xi32>], vector<16xf32>,
      %gather3A_720 = tpu.vector_load_idx %arg10[%add3A_466, %broadcast_in_dim3A_718] : memref<3072x32xf32, #tpu.memory_space<vmem>>[vector<16xi32>, vector<16xi32>], vector<16xf32>,
      %mul3A_721 = arith.mulf %gather3A_719, %gather3A_720 : vector<16xf32>
      %add3A_722 = arith.addf %add3A_701, %mul3A_721 : vector<16xf32>
      %gather3A_723 = tpu.vector_load_idx %arg10[%add3A_472, %broadcast_in_dim3A_718] : memref<3072x32xf32, #tpu.memory_space<vmem>>[vector<16xi32>, vector<16xi32>], vector<16xf32>,
      %mul3A_724 = arith.mulf %gather3A_719, %gather3A_723 : vector<16xf32>
      %add3A_725 = arith.addf %add3A_704, %mul3A_724 : vector<16xf32>
      %gather3A_726 = tpu.vector_load_idx %arg10[%add3A_478, %broadcast_in_dim3A_718] : memref<3072x32xf32, #tpu.memory_space<vmem>>[vector<16xi32>, vector<16xi32>], vector<16xf32>,
      %mul3A_727 = arith.mulf %gather3A_719, %gather3A_726 : vector<16xf32>
      %add3A_728 = arith.addf %add3A_707, %mul3A_727 : vector<16xf32>
      %gather3A_729 = tpu.vector_load_idx %arg10[%add3A_484, %broadcast_in_dim3A_718] : memref<3072x32xf32, #tpu.memory_space<vmem>>[vector<16xi32>, vector<16xi32>], vector<16xf32>,
      %mul3A_730 = arith.mulf %gather3A_719, %gather3A_729 : vector<16xf32>
      %add3A_731 = arith.addf %add3A_710, %mul3A_730 : vector<16xf32>
      %gather3A_732 = tpu.vector_load_idx %arg10[%add3A_490, %broadcast_in_dim3A_718] : memref<3072x32xf32, #tpu.memory_space<vmem>>[vector<16xi32>, vector<16xi32>], vector<16xf32>,
      %mul3A_733 = arith.mulf %gather3A_719, %gather3A_732 : vector<16xf32>
      %add3A_734 = arith.addf %add3A_713, %mul3A_733 : vector<16xf32>
      %gather3A_735 = tpu.vector_load_idx %arg10[%add3A_496, %broadcast_in_dim3A_718] : memref<3072x32xf32, #tpu.memory_space<vmem>>[vector<16xi32>, vector<16xi32>], vector<16xf32>,
      %mul3A_736 = arith.mulf %gather3A_719, %gather3A_735 : vector<16xf32>
      %add3A_737 = arith.addf %add3A_716, %mul3A_736 : vector<16xf32>
      %broadcast_in_dim3A_738 = arith.constant 11 : i32
      %broadcast_in_dim3A_739 = vector.broadcast %broadcast_in_dim3A_738 : i32 to vector<16xi32>
      %gather3A_740 = tpu.vector_load_idx %arg9[%add3A_460, %broadcast_in_dim3A_739] : memref<512x32xf32, #tpu.memory_space<vmem>>[vector<16xi32>, vector<16xi32>], vector<16xf32>,
      %gather3A_741 = tpu.vector_load_idx %arg10[%add3A_466, %broadcast_in_dim3A_739] : memref<3072x32xf32, #tpu.memory_space<vmem>>[vector<16xi32>, vector<16xi32>], vector<16xf32>,
      %mul3A_742 = arith.mulf %gather3A_740, %gather3A_741 : vector<16xf32>
      %add3A_743 = arith.addf %add3A_722, %mul3A_742 : vector<16xf32>
      %gather3A_744 = tpu.vector_load_idx %arg10[%add3A_472, %broadcast_in_dim3A_739] : memref<3072x32xf32, #tpu.memory_space<vmem>>[vector<16xi32>, vector<16xi32>], vector<16xf32>,
      %mul3A_745 = arith.mulf %gather3A_740, %gather3A_744 : vector<16xf32>
      %add3A_746 = arith.addf %add3A_725, %mul3A_745 : vector<16xf32>
      %gather3A_747 = tpu.vector_load_idx %arg10[%add3A_478, %broadcast_in_dim3A_739] : memref<3072x32xf32, #tpu.memory_space<vmem>>[vector<16xi32>, vector<16xi32>], vector<16xf32>,
      %mul3A_748 = arith.mulf %gather3A_740, %gather3A_747 : vector<16xf32>
      %add3A_749 = arith.addf %add3A_728, %mul3A_748 : vector<16xf32>
      %gather3A_750 = tpu.vector_load_idx %arg10[%add3A_484, %broadcast_in_dim3A_739] : memref<3072x32xf32, #tpu.memory_space<vmem>>[vector<16xi32>, vector<16xi32>], vector<16xf32>,
      %mul3A_751 = arith.mulf %gather3A_740, %gather3A_750 : vector<16xf32>
      %add3A_752 = arith.addf %add3A_731, %mul3A_751 : vector<16xf32>
      %gather3A_753 = tpu.vector_load_idx %arg10[%add3A_490, %broadcast_in_dim3A_739] : memref<3072x32xf32, #tpu.memory_space<vmem>>[vector<16xi32>, vector<16xi32>], vector<16xf32>,
      %mul3A_754 = arith.mulf %gather3A_740, %gather3A_753 : vector<16xf32>
      %add3A_755 = arith.addf %add3A_734, %mul3A_754 : vector<16xf32>
      %gather3A_756 = tpu.vector_load_idx %arg10[%add3A_496, %broadcast_in_dim3A_739] : memref<3072x32xf32, #tpu.memory_space<vmem>>[vector<16xi32>, vector<16xi32>], vector<16xf32>,
      %mul3A_757 = arith.mulf %gather3A_740, %gather3A_756 : vector<16xf32>
      %add3A_758 = arith.addf %add3A_737, %mul3A_757 : vector<16xf32>
      %broadcast_in_dim3A_759 = arith.constant 12 : i32
      %broadcast_in_dim3A_760 = vector.broadcast %broadcast_in_dim3A_759 : i32 to vector<16xi32>
      %gather3A_761 = tpu.vector_load_idx %arg9[%add3A_460, %broadcast_in_dim3A_760] : memref<512x32xf32, #tpu.memory_space<vmem>>[vector<16xi32>, vector<16xi32>], vector<16xf32>,
      %gather3A_762 = tpu.vector_load_idx %arg10[%add3A_466, %broadcast_in_dim3A_760] : memref<3072x32xf32, #tpu.memory_space<vmem>>[vector<16xi32>, vector<16xi32>], vector<16xf32>,
      %mul3A_763 = arith.mulf %gather3A_761, %gather3A_762 : vector<16xf32>
      %add3A_764 = arith.addf %add3A_743, %mul3A_763 : vector<16xf32>
      %gather3A_765 = tpu.vector_load_idx %arg10[%add3A_472, %broadcast_in_dim3A_760] : memref<3072x32xf32, #tpu.memory_space<vmem>>[vector<16xi32>, vector<16xi32>], vector<16xf32>,
      %mul3A_766 = arith.mulf %gather3A_761, %gather3A_765 : vector<16xf32>
      %add3A_767 = arith.addf %add3A_746, %mul3A_766 : vector<16xf32>
      %gather3A_768 = tpu.vector_load_idx %arg10[%add3A_478, %broadcast_in_dim3A_760] : memref<3072x32xf32, #tpu.memory_space<vmem>>[vector<16xi32>, vector<16xi32>], vector<16xf32>,
      %mul3A_769 = arith.mulf %gather3A_761, %gather3A_768 : vector<16xf32>
      %add3A_770 = arith.addf %add3A_749, %mul3A_769 : vector<16xf32>
      %gather3A_771 = tpu.vector_load_idx %arg10[%add3A_484, %broadcast_in_dim3A_760] : memref<3072x32xf32, #tpu.memory_space<vmem>>[vector<16xi32>, vector<16xi32>], vector<16xf32>,
      %mul3A_772 = arith.mulf %gather3A_761, %gather3A_771 : vector<16xf32>
      %add3A_773 = arith.addf %add3A_752, %mul3A_772 : vector<16xf32>
      %gather3A_774 = tpu.vector_load_idx %arg10[%add3A_490, %broadcast_in_dim3A_760] : memref<3072x32xf32, #tpu.memory_space<vmem>>[vector<16xi32>, vector<16xi32>], vector<16xf32>,
      %mul3A_775 = arith.mulf %gather3A_761, %gather3A_774 : vector<16xf32>
      %add3A_776 = arith.addf %add3A_755, %mul3A_775 : vector<16xf32>
      %gather3A_777 = tpu.vector_load_idx %arg10[%add3A_496, %broadcast_in_dim3A_760] : memref<3072x32xf32, #tpu.memory_space<vmem>>[vector<16xi32>, vector<16xi32>], vector<16xf32>,
      %mul3A_778 = arith.mulf %gather3A_761, %gather3A_777 : vector<16xf32>
      %add3A_779 = arith.addf %add3A_758, %mul3A_778 : vector<16xf32>
      %broadcast_in_dim3A_780 = arith.constant 13 : i32
      %broadcast_in_dim3A_781 = vector.broadcast %broadcast_in_dim3A_780 : i32 to vector<16xi32>
      %gather3A_782 = tpu.vector_load_idx %arg9[%add3A_460, %broadcast_in_dim3A_781] : memref<512x32xf32, #tpu.memory_space<vmem>>[vector<16xi32>, vector<16xi32>], vector<16xf32>,
      %gather3A_783 = tpu.vector_load_idx %arg10[%add3A_466, %broadcast_in_dim3A_781] : memref<3072x32xf32, #tpu.memory_space<vmem>>[vector<16xi32>, vector<16xi32>], vector<16xf32>,
      %mul3A_784 = arith.mulf %gather3A_782, %gather3A_783 : vector<16xf32>
      %add3A_785 = arith.addf %add3A_764, %mul3A_784 : vector<16xf32>
      %gather3A_786 = tpu.vector_load_idx %arg10[%add3A_472, %broadcast_in_dim3A_781] : memref<3072x32xf32, #tpu.memory_space<vmem>>[vector<16xi32>, vector<16xi32>], vector<16xf32>,
      %mul3A_787 = arith.mulf %gather3A_782, %gather3A_786 : vector<16xf32>
      %add3A_788 = arith.addf %add3A_767, %mul3A_787 : vector<16xf32>
      %gather3A_789 = tpu.vector_load_idx %arg10[%add3A_478, %broadcast_in_dim3A_781] : memref<3072x32xf32, #tpu.memory_space<vmem>>[vector<16xi32>, vector<16xi32>], vector<16xf32>,
      %mul3A_790 = arith.mulf %gather3A_782, %gather3A_789 : vector<16xf32>
      %add3A_791 = arith.addf %add3A_770, %mul3A_790 : vector<16xf32>
      %gather3A_792 = tpu.vector_load_idx %arg10[%add3A_484, %broadcast_in_dim3A_781] : memref<3072x32xf32, #tpu.memory_space<vmem>>[vector<16xi32>, vector<16xi32>], vector<16xf32>,
      %mul3A_793 = arith.mulf %gather3A_782, %gather3A_792 : vector<16xf32>
      %add3A_794 = arith.addf %add3A_773, %mul3A_793 : vector<16xf32>
      %gather3A_795 = tpu.vector_load_idx %arg10[%add3A_490, %broadcast_in_dim3A_781] : memref<3072x32xf32, #tpu.memory_space<vmem>>[vector<16xi32>, vector<16xi32>], vector<16xf32>,
      %mul3A_796 = arith.mulf %gather3A_782, %gather3A_795 : vector<16xf32>
      %add3A_797 = arith.addf %add3A_776, %mul3A_796 : vector<16xf32>
      %gather3A_798 = tpu.vector_load_idx %arg10[%add3A_496, %broadcast_in_dim3A_781] : memref<3072x32xf32, #tpu.memory_space<vmem>>[vector<16xi32>, vector<16xi32>], vector<16xf32>,
      %mul3A_799 = arith.mulf %gather3A_782, %gather3A_798 : vector<16xf32>
      %add3A_800 = arith.addf %add3A_779, %mul3A_799 : vector<16xf32>
      %broadcast_in_dim3A_801 = arith.constant 14 : i32
      %broadcast_in_dim3A_802 = vector.broadcast %broadcast_in_dim3A_801 : i32 to vector<16xi32>
      %gather3A_803 = tpu.vector_load_idx %arg9[%add3A_460, %broadcast_in_dim3A_802] : memref<512x32xf32, #tpu.memory_space<vmem>>[vector<16xi32>, vector<16xi32>], vector<16xf32>,
      %gather3A_804 = tpu.vector_load_idx %arg10[%add3A_466, %broadcast_in_dim3A_802] : memref<3072x32xf32, #tpu.memory_space<vmem>>[vector<16xi32>, vector<16xi32>], vector<16xf32>,
      %mul3A_805 = arith.mulf %gather3A_803, %gather3A_804 : vector<16xf32>
      %add3A_806 = arith.addf %add3A_785, %mul3A_805 : vector<16xf32>
      %gather3A_807 = tpu.vector_load_idx %arg10[%add3A_472, %broadcast_in_dim3A_802] : memref<3072x32xf32, #tpu.memory_space<vmem>>[vector<16xi32>, vector<16xi32>], vector<16xf32>,
      %mul3A_808 = arith.mulf %gather3A_803, %gather3A_807 : vector<16xf32>
      %add3A_809 = arith.addf %add3A_788, %mul3A_808 : vector<16xf32>
      %gather3A_810 = tpu.vector_load_idx %arg10[%add3A_478, %broadcast_in_dim3A_802] : memref<3072x32xf32, #tpu.memory_space<vmem>>[vector<16xi32>, vector<16xi32>], vector<16xf32>,
      %mul3A_811 = arith.mulf %gather3A_803, %gather3A_810 : vector<16xf32>
      %add3A_812 = arith.addf %add3A_791, %mul3A_811 : vector<16xf32>
      %gather3A_813 = tpu.vector_load_idx %arg10[%add3A_484, %broadcast_in_dim3A_802] : memref<3072x32xf32, #tpu.memory_space<vmem>>[vector<16xi32>, vector<16xi32>], vector<16xf32>,
      %mul3A_814 = arith.mulf %gather3A_803, %gather3A_813 : vector<16xf32>
      %add3A_815 = arith.addf %add3A_794, %mul3A_814 : vector<16xf32>
      %gather3A_816 = tpu.vector_load_idx %arg10[%add3A_490, %broadcast_in_dim3A_802] : memref<3072x32xf32, #tpu.memory_space<vmem>>[vector<16xi32>, vector<16xi32>], vector<16xf32>,
      %mul3A_817 = arith.mulf %gather3A_803, %gather3A_816 : vector<16xf32>
      %add3A_818 = arith.addf %add3A_797, %mul3A_817 : vector<16xf32>
      %gather3A_819 = tpu.vector_load_idx %arg10[%add3A_496, %broadcast_in_dim3A_802] : memref<3072x32xf32, #tpu.memory_space<vmem>>[vector<16xi32>, vector<16xi32>], vector<16xf32>,
      %mul3A_820 = arith.mulf %gather3A_803, %gather3A_819 : vector<16xf32>
      %add3A_821 = arith.addf %add3A_800, %mul3A_820 : vector<16xf32>
      %broadcast_in_dim3A_822 = arith.constant 15 : i32
      %broadcast_in_dim3A_823 = vector.broadcast %broadcast_in_dim3A_822 : i32 to vector<16xi32>
      %gather3A_824 = tpu.vector_load_idx %arg9[%add3A_460, %broadcast_in_dim3A_823] : memref<512x32xf32, #tpu.memory_space<vmem>>[vector<16xi32>, vector<16xi32>], vector<16xf32>,
      %gather3A_825 = tpu.vector_load_idx %arg10[%add3A_466, %broadcast_in_dim3A_823] : memref<3072x32xf32, #tpu.memory_space<vmem>>[vector<16xi32>, vector<16xi32>], vector<16xf32>,
      %mul3A_826 = arith.mulf %gather3A_824, %gather3A_825 : vector<16xf32>
      %add3A_827 = arith.addf %add3A_806, %mul3A_826 : vector<16xf32>
      %gather3A_828 = tpu.vector_load_idx %arg10[%add3A_472, %broadcast_in_dim3A_823] : memref<3072x32xf32, #tpu.memory_space<vmem>>[vector<16xi32>, vector<16xi32>], vector<16xf32>,
      %mul3A_829 = arith.mulf %gather3A_824, %gather3A_828 : vector<16xf32>
      %add3A_830 = arith.addf %add3A_809, %mul3A_829 : vector<16xf32>
      %gather3A_831 = tpu.vector_load_idx %arg10[%add3A_478, %broadcast_in_dim3A_823] : memref<3072x32xf32, #tpu.memory_space<vmem>>[vector<16xi32>, vector<16xi32>], vector<16xf32>,
      %mul3A_832 = arith.mulf %gather3A_824, %gather3A_831 : vector<16xf32>
      %add3A_833 = arith.addf %add3A_812, %mul3A_832 : vector<16xf32>
      %gather3A_834 = tpu.vector_load_idx %arg10[%add3A_484, %broadcast_in_dim3A_823] : memref<3072x32xf32, #tpu.memory_space<vmem>>[vector<16xi32>, vector<16xi32>], vector<16xf32>,
      %mul3A_835 = arith.mulf %gather3A_824, %gather3A_834 : vector<16xf32>
      %add3A_836 = arith.addf %add3A_815, %mul3A_835 : vector<16xf32>
      %gather3A_837 = tpu.vector_load_idx %arg10[%add3A_490, %broadcast_in_dim3A_823] : memref<3072x32xf32, #tpu.memory_space<vmem>>[vector<16xi32>, vector<16xi32>], vector<16xf32>,
      %mul3A_838 = arith.mulf %gather3A_824, %gather3A_837 : vector<16xf32>
      %add3A_839 = arith.addf %add3A_818, %mul3A_838 : vector<16xf32>
      %gather3A_840 = tpu.vector_load_idx %arg10[%add3A_496, %broadcast_in_dim3A_823] : memref<3072x32xf32, #tpu.memory_space<vmem>>[vector<16xi32>, vector<16xi32>], vector<16xf32>,
      %mul3A_841 = arith.mulf %gather3A_824, %gather3A_840 : vector<16xf32>
      %add3A_842 = arith.addf %add3A_821, %mul3A_841 : vector<16xf32>
      %broadcast_in_dim3A_843 = arith.constant 16 : i32
      %broadcast_in_dim3A_844 = vector.broadcast %broadcast_in_dim3A_843 : i32 to vector<16xi32>
      %gather3A_845 = tpu.vector_load_idx %arg9[%add3A_460, %broadcast_in_dim3A_844] : memref<512x32xf32, #tpu.memory_space<vmem>>[vector<16xi32>, vector<16xi32>], vector<16xf32>,
      %gather3A_846 = tpu.vector_load_idx %arg10[%add3A_466, %broadcast_in_dim3A_844] : memref<3072x32xf32, #tpu.memory_space<vmem>>[vector<16xi32>, vector<16xi32>], vector<16xf32>,
      %mul3A_847 = arith.mulf %gather3A_845, %gather3A_846 : vector<16xf32>
      %add3A_848 = arith.addf %add3A_827, %mul3A_847 : vector<16xf32>
      %gather3A_849 = tpu.vector_load_idx %arg10[%add3A_472, %broadcast_in_dim3A_844] : memref<3072x32xf32, #tpu.memory_space<vmem>>[vector<16xi32>, vector<16xi32>], vector<16xf32>,
      %mul3A_850 = arith.mulf %gather3A_845, %gather3A_849 : vector<16xf32>
      %add3A_851 = arith.addf %add3A_830, %mul3A_850 : vector<16xf32>
      %gather3A_852 = tpu.vector_load_idx %arg10[%add3A_478, %broadcast_in_dim3A_844] : memref<3072x32xf32, #tpu.memory_space<vmem>>[vector<16xi32>, vector<16xi32>], vector<16xf32>,
      %mul3A_853 = arith.mulf %gather3A_845, %gather3A_852 : vector<16xf32>
      %add3A_854 = arith.addf %add3A_833, %mul3A_853 : vector<16xf32>
      %gather3A_855 = tpu.vector_load_idx %arg10[%add3A_484, %broadcast_in_dim3A_844] : memref<3072x32xf32, #tpu.memory_space<vmem>>[vector<16xi32>, vector<16xi32>], vector<16xf32>,
      %mul3A_856 = arith.mulf %gather3A_845, %gather3A_855 : vector<16xf32>
      %add3A_857 = arith.addf %add3A_836, %mul3A_856 : vector<16xf32>
      %gather3A_858 = tpu.vector_load_idx %arg10[%add3A_490, %broadcast_in_dim3A_844] : memref<3072x32xf32, #tpu.memory_space<vmem>>[vector<16xi32>, vector<16xi32>], vector<16xf32>,
      %mul3A_859 = arith.mulf %gather3A_845, %gather3A_858 : vector<16xf32>
      %add3A_860 = arith.addf %add3A_839, %mul3A_859 : vector<16xf32>
      %gather3A_861 = tpu.vector_load_idx %arg10[%add3A_496, %broadcast_in_dim3A_844] : memref<3072x32xf32, #tpu.memory_space<vmem>>[vector<16xi32>, vector<16xi32>], vector<16xf32>,
      %mul3A_862 = arith.mulf %gather3A_845, %gather3A_861 : vector<16xf32>
      %add3A_863 = arith.addf %add3A_842, %mul3A_862 : vector<16xf32>
      %broadcast_in_dim3A_864 = arith.constant 17 : i32
      %broadcast_in_dim3A_865 = vector.broadcast %broadcast_in_dim3A_864 : i32 to vector<16xi32>
      %gather3A_866 = tpu.vector_load_idx %arg9[%add3A_460, %broadcast_in_dim3A_865] : memref<512x32xf32, #tpu.memory_space<vmem>>[vector<16xi32>, vector<16xi32>], vector<16xf32>,
      %gather3A_867 = tpu.vector_load_idx %arg10[%add3A_466, %broadcast_in_dim3A_865] : memref<3072x32xf32, #tpu.memory_space<vmem>>[vector<16xi32>, vector<16xi32>], vector<16xf32>,
      %mul3A_868 = arith.mulf %gather3A_866, %gather3A_867 : vector<16xf32>
      %add3A_869 = arith.addf %add3A_848, %mul3A_868 : vector<16xf32>
      %gather3A_870 = tpu.vector_load_idx %arg10[%add3A_472, %broadcast_in_dim3A_865] : memref<3072x32xf32, #tpu.memory_space<vmem>>[vector<16xi32>, vector<16xi32>], vector<16xf32>,
      %mul3A_871 = arith.mulf %gather3A_866, %gather3A_870 : vector<16xf32>
      %add3A_872 = arith.addf %add3A_851, %mul3A_871 : vector<16xf32>
      %gather3A_873 = tpu.vector_load_idx %arg10[%add3A_478, %broadcast_in_dim3A_865] : memref<3072x32xf32, #tpu.memory_space<vmem>>[vector<16xi32>, vector<16xi32>], vector<16xf32>,
      %mul3A_874 = arith.mulf %gather3A_866, %gather3A_873 : vector<16xf32>
      %add3A_875 = arith.addf %add3A_854, %mul3A_874 : vector<16xf32>
      %gather3A_876 = tpu.vector_load_idx %arg10[%add3A_484, %broadcast_in_dim3A_865] : memref<3072x32xf32, #tpu.memory_space<vmem>>[vector<16xi32>, vector<16xi32>], vector<16xf32>,
      %mul3A_877 = arith.mulf %gather3A_866, %gather3A_876 : vector<16xf32>
      %add3A_878 = arith.addf %add3A_857, %mul3A_877 : vector<16xf32>
      %gather3A_879 = tpu.vector_load_idx %arg10[%add3A_490, %broadcast_in_dim3A_865] : memref<3072x32xf32, #tpu.memory_space<vmem>>[vector<16xi32>, vector<16xi32>], vector<16xf32>,
      %mul3A_880 = arith.mulf %gather3A_866, %gather3A_879 : vector<16xf32>
      %add3A_881 = arith.addf %add3A_860, %mul3A_880 : vector<16xf32>
      %gather3A_882 = tpu.vector_load_idx %arg10[%add3A_496, %broadcast_in_dim3A_865] : memref<3072x32xf32, #tpu.memory_space<vmem>>[vector<16xi32>, vector<16xi32>], vector<16xf32>,
      %mul3A_883 = arith.mulf %gather3A_866, %gather3A_882 : vector<16xf32>
      %add3A_884 = arith.addf %add3A_863, %mul3A_883 : vector<16xf32>
      %broadcast_in_dim3A_885 = arith.constant 18 : i32
      %broadcast_in_dim3A_886 = vector.broadcast %broadcast_in_dim3A_885 : i32 to vector<16xi32>
      %gather3A_887 = tpu.vector_load_idx %arg9[%add3A_460, %broadcast_in_dim3A_886] : memref<512x32xf32, #tpu.memory_space<vmem>>[vector<16xi32>, vector<16xi32>], vector<16xf32>,
      %gather3A_888 = tpu.vector_load_idx %arg10[%add3A_466, %broadcast_in_dim3A_886] : memref<3072x32xf32, #tpu.memory_space<vmem>>[vector<16xi32>, vector<16xi32>], vector<16xf32>,
      %mul3A_889 = arith.mulf %gather3A_887, %gather3A_888 : vector<16xf32>
      %add3A_890 = arith.addf %add3A_869, %mul3A_889 : vector<16xf32>
      %gather3A_891 = tpu.vector_load_idx %arg10[%add3A_472, %broadcast_in_dim3A_886] : memref<3072x32xf32, #tpu.memory_space<vmem>>[vector<16xi32>, vector<16xi32>], vector<16xf32>,
      %mul3A_892 = arith.mulf %gather3A_887, %gather3A_891 : vector<16xf32>
      %add3A_893 = arith.addf %add3A_872, %mul3A_892 : vector<16xf32>
      %gather3A_894 = tpu.vector_load_idx %arg10[%add3A_478, %broadcast_in_dim3A_886] : memref<3072x32xf32, #tpu.memory_space<vmem>>[vector<16xi32>, vector<16xi32>], vector<16xf32>,
      %mul3A_895 = arith.mulf %gather3A_887, %gather3A_894 : vector<16xf32>
      %add3A_896 = arith.addf %add3A_875, %mul3A_895 : vector<16xf32>
      %gather3A_897 = tpu.vector_load_idx %arg10[%add3A_484, %broadcast_in_dim3A_886] : memref<3072x32xf32, #tpu.memory_space<vmem>>[vector<16xi32>, vector<16xi32>], vector<16xf32>,
      %mul3A_898 = arith.mulf %gather3A_887, %gather3A_897 : vector<16xf32>
      %add3A_899 = arith.addf %add3A_878, %mul3A_898 : vector<16xf32>
      %gather3A_900 = tpu.vector_load_idx %arg10[%add3A_490, %broadcast_in_dim3A_886] : memref<3072x32xf32, #tpu.memory_space<vmem>>[vector<16xi32>, vector<16xi32>], vector<16xf32>,
      %mul3A_901 = arith.mulf %gather3A_887, %gather3A_900 : vector<16xf32>
      %add3A_902 = arith.addf %add3A_881, %mul3A_901 : vector<16xf32>
      %gather3A_903 = tpu.vector_load_idx %arg10[%add3A_496, %broadcast_in_dim3A_886] : memref<3072x32xf32, #tpu.memory_space<vmem>>[vector<16xi32>, vector<16xi32>], vector<16xf32>,
      %mul3A_904 = arith.mulf %gather3A_887, %gather3A_903 : vector<16xf32>
      %add3A_905 = arith.addf %add3A_884, %mul3A_904 : vector<16xf32>
      %broadcast_in_dim3A_906 = arith.constant 19 : i32
      %broadcast_in_dim3A_907 = vector.broadcast %broadcast_in_dim3A_906 : i32 to vector<16xi32>
      %gather3A_908 = tpu.vector_load_idx %arg9[%add3A_460, %broadcast_in_dim3A_907] : memref<512x32xf32, #tpu.memory_space<vmem>>[vector<16xi32>, vector<16xi32>], vector<16xf32>,
      %gather3A_909 = tpu.vector_load_idx %arg10[%add3A_466, %broadcast_in_dim3A_907] : memref<3072x32xf32, #tpu.memory_space<vmem>>[vector<16xi32>, vector<16xi32>], vector<16xf32>,
      %mul3A_910 = arith.mulf %gather3A_908, %gather3A_909 : vector<16xf32>
      %add3A_911 = arith.addf %add3A_890, %mul3A_910 : vector<16xf32>
      %gather3A_912 = tpu.vector_load_idx %arg10[%add3A_472, %broadcast_in_dim3A_907] : memref<3072x32xf32, #tpu.memory_space<vmem>>[vector<16xi32>, vector<16xi32>], vector<16xf32>,
      %mul3A_913 = arith.mulf %gather3A_908, %gather3A_912 : vector<16xf32>
      %add3A_914 = arith.addf %add3A_893, %mul3A_913 : vector<16xf32>
      %gather3A_915 = tpu.vector_load_idx %arg10[%add3A_478, %broadcast_in_dim3A_907] : memref<3072x32xf32, #tpu.memory_space<vmem>>[vector<16xi32>, vector<16xi32>], vector<16xf32>,
      %mul3A_916 = arith.mulf %gather3A_908, %gather3A_915 : vector<16xf32>
      %add3A_917 = arith.addf %add3A_896, %mul3A_916 : vector<16xf32>
      %gather3A_918 = tpu.vector_load_idx %arg10[%add3A_484, %broadcast_in_dim3A_907] : memref<3072x32xf32, #tpu.memory_space<vmem>>[vector<16xi32>, vector<16xi32>], vector<16xf32>,
      %mul3A_919 = arith.mulf %gather3A_908, %gather3A_918 : vector<16xf32>
      %add3A_920 = arith.addf %add3A_899, %mul3A_919 : vector<16xf32>
      %gather3A_921 = tpu.vector_load_idx %arg10[%add3A_490, %broadcast_in_dim3A_907] : memref<3072x32xf32, #tpu.memory_space<vmem>>[vector<16xi32>, vector<16xi32>], vector<16xf32>,
      %mul3A_922 = arith.mulf %gather3A_908, %gather3A_921 : vector<16xf32>
      %add3A_923 = arith.addf %add3A_902, %mul3A_922 : vector<16xf32>
      %gather3A_924 = tpu.vector_load_idx %arg10[%add3A_496, %broadcast_in_dim3A_907] : memref<3072x32xf32, #tpu.memory_space<vmem>>[vector<16xi32>, vector<16xi32>], vector<16xf32>,
      %mul3A_925 = arith.mulf %gather3A_908, %gather3A_924 : vector<16xf32>
      %add3A_926 = arith.addf %add3A_905, %mul3A_925 : vector<16xf32>
      %broadcast_in_dim3A_927 = arith.constant 20 : i32
      %broadcast_in_dim3A_928 = vector.broadcast %broadcast_in_dim3A_927 : i32 to vector<16xi32>
      %gather3A_929 = tpu.vector_load_idx %arg9[%add3A_460, %broadcast_in_dim3A_928] : memref<512x32xf32, #tpu.memory_space<vmem>>[vector<16xi32>, vector<16xi32>], vector<16xf32>,
      %gather3A_930 = tpu.vector_load_idx %arg10[%add3A_466, %broadcast_in_dim3A_928] : memref<3072x32xf32, #tpu.memory_space<vmem>>[vector<16xi32>, vector<16xi32>], vector<16xf32>,
      %mul3A_931 = arith.mulf %gather3A_929, %gather3A_930 : vector<16xf32>
      %add3A_932 = arith.addf %add3A_911, %mul3A_931 : vector<16xf32>
      %gather3A_933 = tpu.vector_load_idx %arg10[%add3A_472, %broadcast_in_dim3A_928] : memref<3072x32xf32, #tpu.memory_space<vmem>>[vector<16xi32>, vector<16xi32>], vector<16xf32>,
      %mul3A_934 = arith.mulf %gather3A_929, %gather3A_933 : vector<16xf32>
      %add3A_935 = arith.addf %add3A_914, %mul3A_934 : vector<16xf32>
      %gather3A_936 = tpu.vector_load_idx %arg10[%add3A_478, %broadcast_in_dim3A_928] : memref<3072x32xf32, #tpu.memory_space<vmem>>[vector<16xi32>, vector<16xi32>], vector<16xf32>,
      %mul3A_937 = arith.mulf %gather3A_929, %gather3A_936 : vector<16xf32>
      %add3A_938 = arith.addf %add3A_917, %mul3A_937 : vector<16xf32>
      %gather3A_939 = tpu.vector_load_idx %arg10[%add3A_484, %broadcast_in_dim3A_928] : memref<3072x32xf32, #tpu.memory_space<vmem>>[vector<16xi32>, vector<16xi32>], vector<16xf32>,
      %mul3A_940 = arith.mulf %gather3A_929, %gather3A_939 : vector<16xf32>
      %add3A_941 = arith.addf %add3A_920, %mul3A_940 : vector<16xf32>
      %gather3A_942 = tpu.vector_load_idx %arg10[%add3A_490, %broadcast_in_dim3A_928] : memref<3072x32xf32, #tpu.memory_space<vmem>>[vector<16xi32>, vector<16xi32>], vector<16xf32>,
      %mul3A_943 = arith.mulf %gather3A_929, %gather3A_942 : vector<16xf32>
      %add3A_944 = arith.addf %add3A_923, %mul3A_943 : vector<16xf32>
      %gather3A_945 = tpu.vector_load_idx %arg10[%add3A_496, %broadcast_in_dim3A_928] : memref<3072x32xf32, #tpu.memory_space<vmem>>[vector<16xi32>, vector<16xi32>], vector<16xf32>,
      %mul3A_946 = arith.mulf %gather3A_929, %gather3A_945 : vector<16xf32>
      %add3A_947 = arith.addf %add3A_926, %mul3A_946 : vector<16xf32>
      %broadcast_in_dim3A_948 = arith.constant 21 : i32
      %broadcast_in_dim3A_949 = vector.broadcast %broadcast_in_dim3A_948 : i32 to vector<16xi32>
      %gather3A_950 = tpu.vector_load_idx %arg9[%add3A_460, %broadcast_in_dim3A_949] : memref<512x32xf32, #tpu.memory_space<vmem>>[vector<16xi32>, vector<16xi32>], vector<16xf32>,
      %gather3A_951 = tpu.vector_load_idx %arg10[%add3A_466, %broadcast_in_dim3A_949] : memref<3072x32xf32, #tpu.memory_space<vmem>>[vector<16xi32>, vector<16xi32>], vector<16xf32>,
      %mul3A_952 = arith.mulf %gather3A_950, %gather3A_951 : vector<16xf32>
      %add3A_953 = arith.addf %add3A_932, %mul3A_952 : vector<16xf32>
      %gather3A_954 = tpu.vector_load_idx %arg10[%add3A_472, %broadcast_in_dim3A_949] : memref<3072x32xf32, #tpu.memory_space<vmem>>[vector<16xi32>, vector<16xi32>], vector<16xf32>,
      %mul3A_955 = arith.mulf %gather3A_950, %gather3A_954 : vector<16xf32>
      %add3A_956 = arith.addf %add3A_935, %mul3A_955 : vector<16xf32>
      %gather3A_957 = tpu.vector_load_idx %arg10[%add3A_478, %broadcast_in_dim3A_949] : memref<3072x32xf32, #tpu.memory_space<vmem>>[vector<16xi32>, vector<16xi32>], vector<16xf32>,
      %mul3A_958 = arith.mulf %gather3A_950, %gather3A_957 : vector<16xf32>
      %add3A_959 = arith.addf %add3A_938, %mul3A_958 : vector<16xf32>
      %gather3A_960 = tpu.vector_load_idx %arg10[%add3A_484, %broadcast_in_dim3A_949] : memref<3072x32xf32, #tpu.memory_space<vmem>>[vector<16xi32>, vector<16xi32>], vector<16xf32>,
      %mul3A_961 = arith.mulf %gather3A_950, %gather3A_960 : vector<16xf32>
      %add3A_962 = arith.addf %add3A_941, %mul3A_961 : vector<16xf32>
      %gather3A_963 = tpu.vector_load_idx %arg10[%add3A_490, %broadcast_in_dim3A_949] : memref<3072x32xf32, #tpu.memory_space<vmem>>[vector<16xi32>, vector<16xi32>], vector<16xf32>,
      %mul3A_964 = arith.mulf %gather3A_950, %gather3A_963 : vector<16xf32>
      %add3A_965 = arith.addf %add3A_944, %mul3A_964 : vector<16xf32>
      %gather3A_966 = tpu.vector_load_idx %arg10[%add3A_496, %broadcast_in_dim3A_949] : memref<3072x32xf32, #tpu.memory_space<vmem>>[vector<16xi32>, vector<16xi32>], vector<16xf32>,
      %mul3A_967 = arith.mulf %gather3A_950, %gather3A_966 : vector<16xf32>
      %add3A_968 = arith.addf %add3A_947, %mul3A_967 : vector<16xf32>
      %broadcast_in_dim3A_969 = arith.constant 22 : i32
      %broadcast_in_dim3A_970 = vector.broadcast %broadcast_in_dim3A_969 : i32 to vector<16xi32>
      %gather3A_971 = tpu.vector_load_idx %arg9[%add3A_460, %broadcast_in_dim3A_970] : memref<512x32xf32, #tpu.memory_space<vmem>>[vector<16xi32>, vector<16xi32>], vector<16xf32>,
      %gather3A_972 = tpu.vector_load_idx %arg10[%add3A_466, %broadcast_in_dim3A_970] : memref<3072x32xf32, #tpu.memory_space<vmem>>[vector<16xi32>, vector<16xi32>], vector<16xf32>,
      %mul3A_973 = arith.mulf %gather3A_971, %gather3A_972 : vector<16xf32>
      %add3A_974 = arith.addf %add3A_953, %mul3A_973 : vector<16xf32>
      %gather3A_975 = tpu.vector_load_idx %arg10[%add3A_472, %broadcast_in_dim3A_970] : memref<3072x32xf32, #tpu.memory_space<vmem>>[vector<16xi32>, vector<16xi32>], vector<16xf32>,
      %mul3A_976 = arith.mulf %gather3A_971, %gather3A_975 : vector<16xf32>
      %add3A_977 = arith.addf %add3A_956, %mul3A_976 : vector<16xf32>
      %gather3A_978 = tpu.vector_load_idx %arg10[%add3A_478, %broadcast_in_dim3A_970] : memref<3072x32xf32, #tpu.memory_space<vmem>>[vector<16xi32>, vector<16xi32>], vector<16xf32>,
      %mul3A_979 = arith.mulf %gather3A_971, %gather3A_978 : vector<16xf32>
      %add3A_980 = arith.addf %add3A_959, %mul3A_979 : vector<16xf32>
      %gather3A_981 = tpu.vector_load_idx %arg10[%add3A_484, %broadcast_in_dim3A_970] : memref<3072x32xf32, #tpu.memory_space<vmem>>[vector<16xi32>, vector<16xi32>], vector<16xf32>,
      %mul3A_982 = arith.mulf %gather3A_971, %gather3A_981 : vector<16xf32>
      %add3A_983 = arith.addf %add3A_962, %mul3A_982 : vector<16xf32>
      %gather3A_984 = tpu.vector_load_idx %arg10[%add3A_490, %broadcast_in_dim3A_970] : memref<3072x32xf32, #tpu.memory_space<vmem>>[vector<16xi32>, vector<16xi32>], vector<16xf32>,
      %mul3A_985 = arith.mulf %gather3A_971, %gather3A_984 : vector<16xf32>
      %add3A_986 = arith.addf %add3A_965, %mul3A_985 : vector<16xf32>
      %gather3A_987 = tpu.vector_load_idx %arg10[%add3A_496, %broadcast_in_dim3A_970] : memref<3072x32xf32, #tpu.memory_space<vmem>>[vector<16xi32>, vector<16xi32>], vector<16xf32>,
      %mul3A_988 = arith.mulf %gather3A_971, %gather3A_987 : vector<16xf32>
      %add3A_989 = arith.addf %add3A_968, %mul3A_988 : vector<16xf32>
      %broadcast_in_dim3A_990 = arith.constant 23 : i32
      %broadcast_in_dim3A_991 = vector.broadcast %broadcast_in_dim3A_990 : i32 to vector<16xi32>
      %gather3A_992 = tpu.vector_load_idx %arg9[%add3A_460, %broadcast_in_dim3A_991] : memref<512x32xf32, #tpu.memory_space<vmem>>[vector<16xi32>, vector<16xi32>], vector<16xf32>,
      %gather3A_993 = tpu.vector_load_idx %arg10[%add3A_466, %broadcast_in_dim3A_991] : memref<3072x32xf32, #tpu.memory_space<vmem>>[vector<16xi32>, vector<16xi32>], vector<16xf32>,
      %mul3A_994 = arith.mulf %gather3A_992, %gather3A_993 : vector<16xf32>
      %add3A_995 = arith.addf %add3A_974, %mul3A_994 : vector<16xf32>
      %gather3A_996 = tpu.vector_load_idx %arg10[%add3A_472, %broadcast_in_dim3A_991] : memref<3072x32xf32, #tpu.memory_space<vmem>>[vector<16xi32>, vector<16xi32>], vector<16xf32>,
      %mul3A_997 = arith.mulf %gather3A_992, %gather3A_996 : vector<16xf32>
      %add3A_998 = arith.addf %add3A_977, %mul3A_997 : vector<16xf32>
      %gather3A_999 = tpu.vector_load_idx %arg10[%add3A_478, %broadcast_in_dim3A_991] : memref<3072x32xf32, #tpu.memory_space<vmem>>[vector<16xi32>, vector<16xi32>], vector<16xf32>,
      %mul3A_1000 = arith.mulf %gather3A_992, %gather3A_999 : vector<16xf32>
      %add3A_1001 = arith.addf %add3A_980, %mul3A_1000 : vector<16xf32>
      %gather3A_1002 = tpu.vector_load_idx %arg10[%add3A_484, %broadcast_in_dim3A_991] : memref<3072x32xf32, #tpu.memory_space<vmem>>[vector<16xi32>, vector<16xi32>], vector<16xf32>,
      %mul3A_1003 = arith.mulf %gather3A_992, %gather3A_1002 : vector<16xf32>
      %add3A_1004 = arith.addf %add3A_983, %mul3A_1003 : vector<16xf32>
      %gather3A_1005 = tpu.vector_load_idx %arg10[%add3A_490, %broadcast_in_dim3A_991] : memref<3072x32xf32, #tpu.memory_space<vmem>>[vector<16xi32>, vector<16xi32>], vector<16xf32>,
      %mul3A_1006 = arith.mulf %gather3A_992, %gather3A_1005 : vector<16xf32>
      %add3A_1007 = arith.addf %add3A_986, %mul3A_1006 : vector<16xf32>
      %gather3A_1008 = tpu.vector_load_idx %arg10[%add3A_496, %broadcast_in_dim3A_991] : memref<3072x32xf32, #tpu.memory_space<vmem>>[vector<16xi32>, vector<16xi32>], vector<16xf32>,
      %mul3A_1009 = arith.mulf %gather3A_992, %gather3A_1008 : vector<16xf32>
      %add3A_1010 = arith.addf %add3A_989, %mul3A_1009 : vector<16xf32>
      %broadcast_in_dim3A_1011 = arith.constant 24 : i32
      %broadcast_in_dim3A_1012 = vector.broadcast %broadcast_in_dim3A_1011 : i32 to vector<16xi32>
      %gather3A_1013 = tpu.vector_load_idx %arg9[%add3A_460, %broadcast_in_dim3A_1012] : memref<512x32xf32, #tpu.memory_space<vmem>>[vector<16xi32>, vector<16xi32>], vector<16xf32>,
      %gather3A_1014 = tpu.vector_load_idx %arg10[%add3A_466, %broadcast_in_dim3A_1012] : memref<3072x32xf32, #tpu.memory_space<vmem>>[vector<16xi32>, vector<16xi32>], vector<16xf32>,
      %mul3A_1015 = arith.mulf %gather3A_1013, %gather3A_1014 : vector<16xf32>
      %add3A_1016 = arith.addf %add3A_995, %mul3A_1015 : vector<16xf32>
      %gather3A_1017 = tpu.vector_load_idx %arg10[%add3A_472, %broadcast_in_dim3A_1012] : memref<3072x32xf32, #tpu.memory_space<vmem>>[vector<16xi32>, vector<16xi32>], vector<16xf32>,
      %mul3A_1018 = arith.mulf %gather3A_1013, %gather3A_1017 : vector<16xf32>
      %add3A_1019 = arith.addf %add3A_998, %mul3A_1018 : vector<16xf32>
      %gather3A_1020 = tpu.vector_load_idx %arg10[%add3A_478, %broadcast_in_dim3A_1012] : memref<3072x32xf32, #tpu.memory_space<vmem>>[vector<16xi32>, vector<16xi32>], vector<16xf32>,
      %mul3A_1021 = arith.mulf %gather3A_1013, %gather3A_1020 : vector<16xf32>
      %add3A_1022 = arith.addf %add3A_1001, %mul3A_1021 : vector<16xf32>
      %gather3A_1023 = tpu.vector_load_idx %arg10[%add3A_484, %broadcast_in_dim3A_1012] : memref<3072x32xf32, #tpu.memory_space<vmem>>[vector<16xi32>, vector<16xi32>], vector<16xf32>,
      %mul3A_1024 = arith.mulf %gather3A_1013, %gather3A_1023 : vector<16xf32>
      %add3A_1025 = arith.addf %add3A_1004, %mul3A_1024 : vector<16xf32>
      %gather3A_1026 = tpu.vector_load_idx %arg10[%add3A_490, %broadcast_in_dim3A_1012] : memref<3072x32xf32, #tpu.memory_space<vmem>>[vector<16xi32>, vector<16xi32>], vector<16xf32>,
      %mul3A_1027 = arith.mulf %gather3A_1013, %gather3A_1026 : vector<16xf32>
      %add3A_1028 = arith.addf %add3A_1007, %mul3A_1027 : vector<16xf32>
      %gather3A_1029 = tpu.vector_load_idx %arg10[%add3A_496, %broadcast_in_dim3A_1012] : memref<3072x32xf32, #tpu.memory_space<vmem>>[vector<16xi32>, vector<16xi32>], vector<16xf32>,
      %mul3A_1030 = arith.mulf %gather3A_1013, %gather3A_1029 : vector<16xf32>
      %add3A_1031 = arith.addf %add3A_1010, %mul3A_1030 : vector<16xf32>
      %broadcast_in_dim3A_1032 = arith.constant 25 : i32
      %broadcast_in_dim3A_1033 = vector.broadcast %broadcast_in_dim3A_1032 : i32 to vector<16xi32>
      %gather3A_1034 = tpu.vector_load_idx %arg9[%add3A_460, %broadcast_in_dim3A_1033] : memref<512x32xf32, #tpu.memory_space<vmem>>[vector<16xi32>, vector<16xi32>], vector<16xf32>,
      %gather3A_1035 = tpu.vector_load_idx %arg10[%add3A_466, %broadcast_in_dim3A_1033] : memref<3072x32xf32, #tpu.memory_space<vmem>>[vector<16xi32>, vector<16xi32>], vector<16xf32>,
      %mul3A_1036 = arith.mulf %gather3A_1034, %gather3A_1035 : vector<16xf32>
      %add3A_1037 = arith.addf %add3A_1016, %mul3A_1036 : vector<16xf32>
      %gather3A_1038 = tpu.vector_load_idx %arg10[%add3A_472, %broadcast_in_dim3A_1033] : memref<3072x32xf32, #tpu.memory_space<vmem>>[vector<16xi32>, vector<16xi32>], vector<16xf32>,
      %mul3A_1039 = arith.mulf %gather3A_1034, %gather3A_1038 : vector<16xf32>
      %add3A_1040 = arith.addf %add3A_1019, %mul3A_1039 : vector<16xf32>
      %gather3A_1041 = tpu.vector_load_idx %arg10[%add3A_478, %broadcast_in_dim3A_1033] : memref<3072x32xf32, #tpu.memory_space<vmem>>[vector<16xi32>, vector<16xi32>], vector<16xf32>,
      %mul3A_1042 = arith.mulf %gather3A_1034, %gather3A_1041 : vector<16xf32>
      %add3A_1043 = arith.addf %add3A_1022, %mul3A_1042 : vector<16xf32>
      %gather3A_1044 = tpu.vector_load_idx %arg10[%add3A_484, %broadcast_in_dim3A_1033] : memref<3072x32xf32, #tpu.memory_space<vmem>>[vector<16xi32>, vector<16xi32>], vector<16xf32>,
      %mul3A_1045 = arith.mulf %gather3A_1034, %gather3A_1044 : vector<16xf32>
      %add3A_1046 = arith.addf %add3A_1025, %mul3A_1045 : vector<16xf32>
      %gather3A_1047 = tpu.vector_load_idx %arg10[%add3A_490, %broadcast_in_dim3A_1033] : memref<3072x32xf32, #tpu.memory_space<vmem>>[vector<16xi32>, vector<16xi32>], vector<16xf32>,
      %mul3A_1048 = arith.mulf %gather3A_1034, %gather3A_1047 : vector<16xf32>
      %add3A_1049 = arith.addf %add3A_1028, %mul3A_1048 : vector<16xf32>
      %gather3A_1050 = tpu.vector_load_idx %arg10[%add3A_496, %broadcast_in_dim3A_1033] : memref<3072x32xf32, #tpu.memory_space<vmem>>[vector<16xi32>, vector<16xi32>], vector<16xf32>,
      %mul3A_1051 = arith.mulf %gather3A_1034, %gather3A_1050 : vector<16xf32>
      %add3A_1052 = arith.addf %add3A_1031, %mul3A_1051 : vector<16xf32>
      %broadcast_in_dim3A_1053 = arith.constant 26 : i32
      %broadcast_in_dim3A_1054 = vector.broadcast %broadcast_in_dim3A_1053 : i32 to vector<16xi32>
      %gather3A_1055 = tpu.vector_load_idx %arg9[%add3A_460, %broadcast_in_dim3A_1054] : memref<512x32xf32, #tpu.memory_space<vmem>>[vector<16xi32>, vector<16xi32>], vector<16xf32>,
      %gather3A_1056 = tpu.vector_load_idx %arg10[%add3A_466, %broadcast_in_dim3A_1054] : memref<3072x32xf32, #tpu.memory_space<vmem>>[vector<16xi32>, vector<16xi32>], vector<16xf32>,
      %mul3A_1057 = arith.mulf %gather3A_1055, %gather3A_1056 : vector<16xf32>
      %add3A_1058 = arith.addf %add3A_1037, %mul3A_1057 : vector<16xf32>
      %gather3A_1059 = tpu.vector_load_idx %arg10[%add3A_472, %broadcast_in_dim3A_1054] : memref<3072x32xf32, #tpu.memory_space<vmem>>[vector<16xi32>, vector<16xi32>], vector<16xf32>,
      %mul3A_1060 = arith.mulf %gather3A_1055, %gather3A_1059 : vector<16xf32>
      %add3A_1061 = arith.addf %add3A_1040, %mul3A_1060 : vector<16xf32>
      %gather3A_1062 = tpu.vector_load_idx %arg10[%add3A_478, %broadcast_in_dim3A_1054] : memref<3072x32xf32, #tpu.memory_space<vmem>>[vector<16xi32>, vector<16xi32>], vector<16xf32>,
      %mul3A_1063 = arith.mulf %gather3A_1055, %gather3A_1062 : vector<16xf32>
      %add3A_1064 = arith.addf %add3A_1043, %mul3A_1063 : vector<16xf32>
      %gather3A_1065 = tpu.vector_load_idx %arg10[%add3A_484, %broadcast_in_dim3A_1054] : memref<3072x32xf32, #tpu.memory_space<vmem>>[vector<16xi32>, vector<16xi32>], vector<16xf32>,
      %mul3A_1066 = arith.mulf %gather3A_1055, %gather3A_1065 : vector<16xf32>
      %add3A_1067 = arith.addf %add3A_1046, %mul3A_1066 : vector<16xf32>
      %gather3A_1068 = tpu.vector_load_idx %arg10[%add3A_490, %broadcast_in_dim3A_1054] : memref<3072x32xf32, #tpu.memory_space<vmem>>[vector<16xi32>, vector<16xi32>], vector<16xf32>,
      %mul3A_1069 = arith.mulf %gather3A_1055, %gather3A_1068 : vector<16xf32>
      %add3A_1070 = arith.addf %add3A_1049, %mul3A_1069 : vector<16xf32>
      %gather3A_1071 = tpu.vector_load_idx %arg10[%add3A_496, %broadcast_in_dim3A_1054] : memref<3072x32xf32, #tpu.memory_space<vmem>>[vector<16xi32>, vector<16xi32>], vector<16xf32>,
      %mul3A_1072 = arith.mulf %gather3A_1055, %gather3A_1071 : vector<16xf32>
      %add3A_1073 = arith.addf %add3A_1052, %mul3A_1072 : vector<16xf32>
      %broadcast_in_dim3A_1074 = arith.constant 27 : i32
      %broadcast_in_dim3A_1075 = vector.broadcast %broadcast_in_dim3A_1074 : i32 to vector<16xi32>
      %gather3A_1076 = tpu.vector_load_idx %arg9[%add3A_460, %broadcast_in_dim3A_1075] : memref<512x32xf32, #tpu.memory_space<vmem>>[vector<16xi32>, vector<16xi32>], vector<16xf32>,
      %gather3A_1077 = tpu.vector_load_idx %arg10[%add3A_466, %broadcast_in_dim3A_1075] : memref<3072x32xf32, #tpu.memory_space<vmem>>[vector<16xi32>, vector<16xi32>], vector<16xf32>,
      %mul3A_1078 = arith.mulf %gather3A_1076, %gather3A_1077 : vector<16xf32>
      %add3A_1079 = arith.addf %add3A_1058, %mul3A_1078 : vector<16xf32>
      %gather3A_1080 = tpu.vector_load_idx %arg10[%add3A_472, %broadcast_in_dim3A_1075] : memref<3072x32xf32, #tpu.memory_space<vmem>>[vector<16xi32>, vector<16xi32>], vector<16xf32>,
      %mul3A_1081 = arith.mulf %gather3A_1076, %gather3A_1080 : vector<16xf32>
      %add3A_1082 = arith.addf %add3A_1061, %mul3A_1081 : vector<16xf32>
      %gather3A_1083 = tpu.vector_load_idx %arg10[%add3A_478, %broadcast_in_dim3A_1075] : memref<3072x32xf32, #tpu.memory_space<vmem>>[vector<16xi32>, vector<16xi32>], vector<16xf32>,
      %mul3A_1084 = arith.mulf %gather3A_1076, %gather3A_1083 : vector<16xf32>
      %add3A_1085 = arith.addf %add3A_1064, %mul3A_1084 : vector<16xf32>
      %gather3A_1086 = tpu.vector_load_idx %arg10[%add3A_484, %broadcast_in_dim3A_1075] : memref<3072x32xf32, #tpu.memory_space<vmem>>[vector<16xi32>, vector<16xi32>], vector<16xf32>,
      %mul3A_1087 = arith.mulf %gather3A_1076, %gather3A_1086 : vector<16xf32>
      %add3A_1088 = arith.addf %add3A_1067, %mul3A_1087 : vector<16xf32>
      %gather3A_1089 = tpu.vector_load_idx %arg10[%add3A_490, %broadcast_in_dim3A_1075] : memref<3072x32xf32, #tpu.memory_space<vmem>>[vector<16xi32>, vector<16xi32>], vector<16xf32>,
      %mul3A_1090 = arith.mulf %gather3A_1076, %gather3A_1089 : vector<16xf32>
      %add3A_1091 = arith.addf %add3A_1070, %mul3A_1090 : vector<16xf32>
      %gather3A_1092 = tpu.vector_load_idx %arg10[%add3A_496, %broadcast_in_dim3A_1075] : memref<3072x32xf32, #tpu.memory_space<vmem>>[vector<16xi32>, vector<16xi32>], vector<16xf32>,
      %mul3A_1093 = arith.mulf %gather3A_1076, %gather3A_1092 : vector<16xf32>
      %add3A_1094 = arith.addf %add3A_1073, %mul3A_1093 : vector<16xf32>
      %broadcast_in_dim3A_1095 = arith.constant 28 : i32
      %broadcast_in_dim3A_1096 = vector.broadcast %broadcast_in_dim3A_1095 : i32 to vector<16xi32>
      %gather3A_1097 = tpu.vector_load_idx %arg9[%add3A_460, %broadcast_in_dim3A_1096] : memref<512x32xf32, #tpu.memory_space<vmem>>[vector<16xi32>, vector<16xi32>], vector<16xf32>,
      %gather3A_1098 = tpu.vector_load_idx %arg10[%add3A_466, %broadcast_in_dim3A_1096] : memref<3072x32xf32, #tpu.memory_space<vmem>>[vector<16xi32>, vector<16xi32>], vector<16xf32>,
      %mul3A_1099 = arith.mulf %gather3A_1097, %gather3A_1098 : vector<16xf32>
      %add3A_1100 = arith.addf %add3A_1079, %mul3A_1099 : vector<16xf32>
      %gather3A_1101 = tpu.vector_load_idx %arg10[%add3A_472, %broadcast_in_dim3A_1096] : memref<3072x32xf32, #tpu.memory_space<vmem>>[vector<16xi32>, vector<16xi32>], vector<16xf32>,
      %mul3A_1102 = arith.mulf %gather3A_1097, %gather3A_1101 : vector<16xf32>
      %add3A_1103 = arith.addf %add3A_1082, %mul3A_1102 : vector<16xf32>
      %gather3A_1104 = tpu.vector_load_idx %arg10[%add3A_478, %broadcast_in_dim3A_1096] : memref<3072x32xf32, #tpu.memory_space<vmem>>[vector<16xi32>, vector<16xi32>], vector<16xf32>,
      %mul3A_1105 = arith.mulf %gather3A_1097, %gather3A_1104 : vector<16xf32>
      %add3A_1106 = arith.addf %add3A_1085, %mul3A_1105 : vector<16xf32>
      %gather3A_1107 = tpu.vector_load_idx %arg10[%add3A_484, %broadcast_in_dim3A_1096] : memref<3072x32xf32, #tpu.memory_space<vmem>>[vector<16xi32>, vector<16xi32>], vector<16xf32>,
      %mul3A_1108 = arith.mulf %gather3A_1097, %gather3A_1107 : vector<16xf32>
      %add3A_1109 = arith.addf %add3A_1088, %mul3A_1108 : vector<16xf32>
      %gather3A_1110 = tpu.vector_load_idx %arg10[%add3A_490, %broadcast_in_dim3A_1096] : memref<3072x32xf32, #tpu.memory_space<vmem>>[vector<16xi32>, vector<16xi32>], vector<16xf32>,
      %mul3A_1111 = arith.mulf %gather3A_1097, %gather3A_1110 : vector<16xf32>
      %add3A_1112 = arith.addf %add3A_1091, %mul3A_1111 : vector<16xf32>
      %gather3A_1113 = tpu.vector_load_idx %arg10[%add3A_496, %broadcast_in_dim3A_1096] : memref<3072x32xf32, #tpu.memory_space<vmem>>[vector<16xi32>, vector<16xi32>], vector<16xf32>,
      %mul3A_1114 = arith.mulf %gather3A_1097, %gather3A_1113 : vector<16xf32>
      %add3A_1115 = arith.addf %add3A_1094, %mul3A_1114 : vector<16xf32>
      %broadcast_in_dim3A_1116 = arith.constant 29 : i32
      %broadcast_in_dim3A_1117 = vector.broadcast %broadcast_in_dim3A_1116 : i32 to vector<16xi32>
      %gather3A_1118 = tpu.vector_load_idx %arg9[%add3A_460, %broadcast_in_dim3A_1117] : memref<512x32xf32, #tpu.memory_space<vmem>>[vector<16xi32>, vector<16xi32>], vector<16xf32>,
      %gather3A_1119 = tpu.vector_load_idx %arg10[%add3A_466, %broadcast_in_dim3A_1117] : memref<3072x32xf32, #tpu.memory_space<vmem>>[vector<16xi32>, vector<16xi32>], vector<16xf32>,
      %mul3A_1120 = arith.mulf %gather3A_1118, %gather3A_1119 : vector<16xf32>
      %add3A_1121 = arith.addf %add3A_1100, %mul3A_1120 : vector<16xf32>
      %gather3A_1122 = tpu.vector_load_idx %arg10[%add3A_472, %broadcast_in_dim3A_1117] : memref<3072x32xf32, #tpu.memory_space<vmem>>[vector<16xi32>, vector<16xi32>], vector<16xf32>,
      %mul3A_1123 = arith.mulf %gather3A_1118, %gather3A_1122 : vector<16xf32>
      %add3A_1124 = arith.addf %add3A_1103, %mul3A_1123 : vector<16xf32>
      %gather3A_1125 = tpu.vector_load_idx %arg10[%add3A_478, %broadcast_in_dim3A_1117] : memref<3072x32xf32, #tpu.memory_space<vmem>>[vector<16xi32>, vector<16xi32>], vector<16xf32>,
      %mul3A_1126 = arith.mulf %gather3A_1118, %gather3A_1125 : vector<16xf32>
      %add3A_1127 = arith.addf %add3A_1106, %mul3A_1126 : vector<16xf32>
      %gather3A_1128 = tpu.vector_load_idx %arg10[%add3A_484, %broadcast_in_dim3A_1117] : memref<3072x32xf32, #tpu.memory_space<vmem>>[vector<16xi32>, vector<16xi32>], vector<16xf32>,
      %mul3A_1129 = arith.mulf %gather3A_1118, %gather3A_1128 : vector<16xf32>
      %add3A_1130 = arith.addf %add3A_1109, %mul3A_1129 : vector<16xf32>
      %gather3A_1131 = tpu.vector_load_idx %arg10[%add3A_490, %broadcast_in_dim3A_1117] : memref<3072x32xf32, #tpu.memory_space<vmem>>[vector<16xi32>, vector<16xi32>], vector<16xf32>,
      %mul3A_1132 = arith.mulf %gather3A_1118, %gather3A_1131 : vector<16xf32>
      %add3A_1133 = arith.addf %add3A_1112, %mul3A_1132 : vector<16xf32>
      %gather3A_1134 = tpu.vector_load_idx %arg10[%add3A_496, %broadcast_in_dim3A_1117] : memref<3072x32xf32, #tpu.memory_space<vmem>>[vector<16xi32>, vector<16xi32>], vector<16xf32>,
      %mul3A_1135 = arith.mulf %gather3A_1118, %gather3A_1134 : vector<16xf32>
      %add3A_1136 = arith.addf %add3A_1115, %mul3A_1135 : vector<16xf32>
      %broadcast_in_dim3A_1137 = arith.constant 30 : i32
      %broadcast_in_dim3A_1138 = vector.broadcast %broadcast_in_dim3A_1137 : i32 to vector<16xi32>
      %gather3A_1139 = tpu.vector_load_idx %arg9[%add3A_460, %broadcast_in_dim3A_1138] : memref<512x32xf32, #tpu.memory_space<vmem>>[vector<16xi32>, vector<16xi32>], vector<16xf32>,
      %gather3A_1140 = tpu.vector_load_idx %arg10[%add3A_466, %broadcast_in_dim3A_1138] : memref<3072x32xf32, #tpu.memory_space<vmem>>[vector<16xi32>, vector<16xi32>], vector<16xf32>,
      %mul3A_1141 = arith.mulf %gather3A_1139, %gather3A_1140 : vector<16xf32>
      %add3A_1142 = arith.addf %add3A_1121, %mul3A_1141 : vector<16xf32>
      %gather3A_1143 = tpu.vector_load_idx %arg10[%add3A_472, %broadcast_in_dim3A_1138] : memref<3072x32xf32, #tpu.memory_space<vmem>>[vector<16xi32>, vector<16xi32>], vector<16xf32>,
      %mul3A_1144 = arith.mulf %gather3A_1139, %gather3A_1143 : vector<16xf32>
      %add3A_1145 = arith.addf %add3A_1124, %mul3A_1144 : vector<16xf32>
      %gather3A_1146 = tpu.vector_load_idx %arg10[%add3A_478, %broadcast_in_dim3A_1138] : memref<3072x32xf32, #tpu.memory_space<vmem>>[vector<16xi32>, vector<16xi32>], vector<16xf32>,
      %mul3A_1147 = arith.mulf %gather3A_1139, %gather3A_1146 : vector<16xf32>
      %add3A_1148 = arith.addf %add3A_1127, %mul3A_1147 : vector<16xf32>
      %gather3A_1149 = tpu.vector_load_idx %arg10[%add3A_484, %broadcast_in_dim3A_1138] : memref<3072x32xf32, #tpu.memory_space<vmem>>[vector<16xi32>, vector<16xi32>], vector<16xf32>,
      %mul3A_1150 = arith.mulf %gather3A_1139, %gather3A_1149 : vector<16xf32>
      %add3A_1151 = arith.addf %add3A_1130, %mul3A_1150 : vector<16xf32>
      %gather3A_1152 = tpu.vector_load_idx %arg10[%add3A_490, %broadcast_in_dim3A_1138] : memref<3072x32xf32, #tpu.memory_space<vmem>>[vector<16xi32>, vector<16xi32>], vector<16xf32>,
      %mul3A_1153 = arith.mulf %gather3A_1139, %gather3A_1152 : vector<16xf32>
      %add3A_1154 = arith.addf %add3A_1133, %mul3A_1153 : vector<16xf32>
      %gather3A_1155 = tpu.vector_load_idx %arg10[%add3A_496, %broadcast_in_dim3A_1138] : memref<3072x32xf32, #tpu.memory_space<vmem>>[vector<16xi32>, vector<16xi32>], vector<16xf32>,
      %mul3A_1156 = arith.mulf %gather3A_1139, %gather3A_1155 : vector<16xf32>
      %add3A_1157 = arith.addf %add3A_1136, %mul3A_1156 : vector<16xf32>
      %broadcast_in_dim3A_1158 = arith.constant 31 : i32
      %broadcast_in_dim3A_1159 = vector.broadcast %broadcast_in_dim3A_1158 : i32 to vector<16xi32>
      %gather3A_1160 = tpu.vector_load_idx %arg9[%add3A_460, %broadcast_in_dim3A_1159] : memref<512x32xf32, #tpu.memory_space<vmem>>[vector<16xi32>, vector<16xi32>], vector<16xf32>,
      %gather3A_1161 = tpu.vector_load_idx %arg10[%add3A_466, %broadcast_in_dim3A_1159] : memref<3072x32xf32, #tpu.memory_space<vmem>>[vector<16xi32>, vector<16xi32>], vector<16xf32>,
      %mul3A_1162 = arith.mulf %gather3A_1160, %gather3A_1161 : vector<16xf32>
      %add3A_1163 = arith.addf %add3A_1142, %mul3A_1162 : vector<16xf32>
      %gather3A_1164 = tpu.vector_load_idx %arg10[%add3A_472, %broadcast_in_dim3A_1159] : memref<3072x32xf32, #tpu.memory_space<vmem>>[vector<16xi32>, vector<16xi32>], vector<16xf32>,
      %mul3A_1165 = arith.mulf %gather3A_1160, %gather3A_1164 : vector<16xf32>
      %add3A_1166 = arith.addf %add3A_1145, %mul3A_1165 : vector<16xf32>
      %gather3A_1167 = tpu.vector_load_idx %arg10[%add3A_478, %broadcast_in_dim3A_1159] : memref<3072x32xf32, #tpu.memory_space<vmem>>[vector<16xi32>, vector<16xi32>], vector<16xf32>,
      %mul3A_1168 = arith.mulf %gather3A_1160, %gather3A_1167 : vector<16xf32>
      %add3A_1169 = arith.addf %add3A_1148, %mul3A_1168 : vector<16xf32>
      %gather3A_1170 = tpu.vector_load_idx %arg10[%add3A_484, %broadcast_in_dim3A_1159] : memref<3072x32xf32, #tpu.memory_space<vmem>>[vector<16xi32>, vector<16xi32>], vector<16xf32>,
      %mul3A_1171 = arith.mulf %gather3A_1160, %gather3A_1170 : vector<16xf32>
      %add3A_1172 = arith.addf %add3A_1151, %mul3A_1171 : vector<16xf32>
      %gather3A_1173 = tpu.vector_load_idx %arg10[%add3A_490, %broadcast_in_dim3A_1159] : memref<3072x32xf32, #tpu.memory_space<vmem>>[vector<16xi32>, vector<16xi32>], vector<16xf32>,
      %mul3A_1174 = arith.mulf %gather3A_1160, %gather3A_1173 : vector<16xf32>
      %add3A_1175 = arith.addf %add3A_1154, %mul3A_1174 : vector<16xf32>
      %gather3A_1176 = tpu.vector_load_idx %arg10[%add3A_496, %broadcast_in_dim3A_1159] : memref<3072x32xf32, #tpu.memory_space<vmem>>[vector<16xi32>, vector<16xi32>], vector<16xf32>,
      %mul3A_1177 = arith.mulf %gather3A_1160, %gather3A_1176 : vector<16xf32>
      %add3A_1178 = arith.addf %add3A_1157, %mul3A_1177 : vector<16xf32>
      tpu.vector_store_idx %arg11[%add3A_466], %add3A_1163 : memref<3072xf32, #tpu.memory_space<vmem>>[vector<16xi32>], vector<16xf32>,
      tpu.vector_store_idx %arg11[%add3A_472], %add3A_1166 : memref<3072xf32, #tpu.memory_space<vmem>>[vector<16xi32>], vector<16xf32>,
      tpu.vector_store_idx %arg11[%add3A_478], %add3A_1169 : memref<3072xf32, #tpu.memory_space<vmem>>[vector<16xi32>], vector<16xf32>,
      tpu.vector_store_idx %arg11[%add3A_484], %add3A_1172 : memref<3072xf32, #tpu.memory_space<vmem>>[vector<16xi32>], vector<16xf32>,
      tpu.vector_store_idx %arg11[%add3A_490], %add3A_1175 : memref<3072xf32, #tpu.memory_space<vmem>>[vector<16xi32>], vector<16xf32>,
      tpu.vector_store_idx %arg11[%add3A_496], %add3A_1178 : memref<3072xf32, #tpu.memory_space<vmem>>[vector<16xi32>], vector<16xf32>,
    }
    %scan3A_455 = arith.constant 32 : i32
    "tpu.region"() ({
      %run_scoped3A = tpu.sem_alloc : memref<!tpu.dma_semaphore, #tpu.memory_space<semaphore_mem>>
      %dma_start3A_456 = tpu.memref_slice %arg6[%mul3A_4] : memref<98304xf32, #tpu.memory_space<hbm>> -> memref<3072xf32, #tpu.memory_space<hbm>>
      %dma_start3A_457 = tpu.memref_slice %arg6[%mul3A_4] : memref<98304xf32, #tpu.memory_space<hbm>> -> memref<3072xf32, #tpu.memory_space<hbm>>
      tpu.enqueue_dma source(%arg11 : memref<3072xf32, #tpu.memory_space<vmem>>) target(%dma_start3A_457 : memref<3072xf32, #tpu.memory_space<hbm>>) target_semaphore(%run_scoped3A : memref<!tpu.dma_semaphore, #tpu.memory_space<semaphore_mem>>)
      %dma_wait3A_458 = tpu.memref_slice %arg6[%mul3A_4] : memref<98304xf32, #tpu.memory_space<hbm>> -> memref<3072xf32, #tpu.memory_space<hbm>>
      %dma_wait3A_459 = tpu.memref_slice %arg6[%mul3A_4] : memref<98304xf32, #tpu.memory_space<hbm>> -> memref<3072xf32, #tpu.memory_space<hbm>>
      tpu.wait_dma2 semaphore(%run_scoped3A : memref<!tpu.dma_semaphore, #tpu.memory_space<semaphore_mem>>) src(%arg11 : memref<3072xf32, #tpu.memory_space<vmem>>) dst(%dma_wait3A_459 : memref<3072xf32, #tpu.memory_space<hbm>>)
      tpu.yield
    }) : () -> ()
    return
  }
}

</mosaic_0001>

<sc_bundles>
// kernel: kernel.3.cloned.1.call-start
scs
__scs_entry_jumppad:
0x0: {  	(pc) =	sbr.rel $0x88, $3  }
0x1: {  	(tag) =	ssettag $0x0;
	lr =	simm.s32 $0x1  }
0x2: {  	[smem:$0x3F9D] =	sst lr;
	_ =	strace $0xD0000000  }
0x3: {  	_ = 	snop  }
0x4: {  	_ = 	snop  }
0x5: {  	_ = 	snop  }
0x6: {  	_ = 	snop  }
0x7: {  	_ = 	snop  }
__scs_overlays_trampoline_lowered:
0x8: {  	[smem:$0x3FAC] =	sst s0  }
0x9: {  	[smem:$0x3FAD] =	sst s1  }
0xa: {  	[smem:$0x3FAE] =	sst s2  }
0xb: {  	[smem:$0x3FAF] =	sst s3  }
0xc: {  	[smem:$0x3FB0] =	sst s4  }
0xd: {  	[smem:$0x3FB1] =	sst s5  }
0xe: {  	[smem:$0x3FB2] =	sst s6  }
0xf: {  	[smem:$0x3FB3] =	sst s7  }
0x10: {  	[smem:$0x3FB4] =	sst s8  }
0x11: {  	[smem:$0x3FB5] =	sst s9;
	s0 =	simm.s32 @!p0 $0x0  }
0x12: {  	s1 =	sld [smem:$0x3F9B];
	s0 =	simm.s32 @p0 $0x1  }
0x13: {  	[smem:$0x3FB6] =	sst s0;
	s0 =	simm.s32 @!p1 $0x0  }
0x14: {  	s2 =	sld [smem:$0x3F9A];
	s0 =	simm.s32 @p1 $0x1  }
0x15: {  	[smem:$0x3FB7] =	sst s0;
	s0 =	simm.s32 @!p2 $0x0  }
0x16: {  	s3 =	sld [smem:$0x3FDB];
	s0 =	simm.s32 @p2 $0x1  }
0x17: {  	s4 =	simm.s32 $0x1BF5;
	[smem:$0x3FB9] =	sst s0  }
0x18: {  	s0 =	sld [smem:$0x3F9C];
	_ =	swait.ge [sflag:s4], $0x0  }
0x19: {  	s7 =	sld [smem:$0x3F9D]  }
0x1a: {  	s8 =	sadd.s32 $0xFFFFE003, lr  }
0x1b: {  	s9 =	sadd.s32 $0xFFFFFEF7, lr;
	s5 =	simm.s32 $0xFFFFFFFF;
	p2 =	slt.u32 s8, $0xFFFFF086  }
0x1c: {  	p1 =	slt.u32 s9, $0xF7A;
	s5 =	simm.s32 @!p2 $0x0  }
0x1d: {  	s5 =	simm.s32 @p1 $0x1;
	p0 =	seq.s32 s7, s2  }
0x1e: {  	s7 =	smul.u32 @!p0 $0xF7A, s2;
	p2 =	seq.s32 @!p0 s5, $0x0  }
0x1f: {  	s9 =	smul.u32 $0xF7A, s1;
	s8 =	simm.s32 @!p0 $0x1BF5;
	p2 =	por !p2, p0  }
0x20: {  	[sflag:s8] =	ssyncset.s32 @!p0 $0xFFFFF086;
	s6 =	sadd.s32 @!p0 s3, s7;
	s7 =	simm.s32 @!p0 $0x108  }
0x21: {  	s3 =	sadd.s32 s3, s9;
	s6 =	sadd.s32 @!p0 $0x88, s6;
	s7 =	simm.s32 @p2 $0x1082  }
0x22: {  	[simem:s7], [sflag:s8] =	dma.local @!p0 [hbm:s6], $0xF7A  }
0x23: {  	s9 =	sor.u32 $0xD0000000, s2;
	s6 =	simm.s32 $0x108;
	_ =	swait.ge @!p0 [sflag:s8], $0x0  }
0x24: {  	s3 =	sadd.s32 $0x88, s3;
	s6 =	simm.s32 @!p1 $0x1082;
	[sflag:s4] =	ssyncset.s32 $0xFFFFF086  }
0x25: {  	[simem:s6], [sflag:s4] =	dma.local [hbm:s3], $0xF7A  }
0x26: {  	[smem:$0x3F9D] =	sst s1;
	(tag) =	ssettag s2;
	_ =	strace s9  }
0x27: {  	s1 =	sld [smem:$0x3FAD]  }
0x28: {  	s2 =	sld [smem:$0x3FAE]  }
0x29: {  	s4 =	sld [smem:$0x3FB0]  }
0x2a: {  	p0 =	seq.s32 s5, $0x0;
	s5 =	sld [smem:$0x3FB1]  }
0x2b: {  	s6 =	sld [smem:$0x3FB2]  }
0x2c: {  	s7 =	sld [smem:$0x3FB3]  }
0x2d: {  	s3 =	simm.s32 $0x108;
	s8 =	sld [smem:$0x3FB4]  }
0x2e: {  	s3 =	simm.s32 @!p0 $0x1082;
	s9 =	sld [smem:$0x3FB5]  }
0x2f: {  	lr =	sadd.s32 s0, s3;
	s0 =	sld [smem:$0x3FAC]  }
0x30: {  	s3 =	sld [smem:$0x3FAF]  }
0x31: {  	[smem:$0x3FB8] =	sst s10  }
0x32: {  	s10 =	sld [smem:$0x3FB6];
	_ =	sdelay $0x3  }
0x33: {  	p0 =	seq.s32 s10, $0x1;
	s10 =	sld [smem:$0x3FB8];
	_ =	sdelay $0x3  }
0x34: {  	[smem:$0x3FB8] =	sst s10  }
0x35: {  	s10 =	sld [smem:$0x3FB7];
	_ =	sdelay $0x3  }
0x36: {  	p1 =	seq.s32 s10, $0x1;
	s10 =	sld [smem:$0x3FB8];
	_ =	sdelay $0x3  }
0x37: {  	[smem:$0x3FB8] =	sst s10  }
0x38: {  	s10 =	sld [smem:$0x3FB9]  }
0x39: {  	_ = 	snop;
	(pc) =	sbr.ind lr, $3  }
0x3a: {  	_ = 	snop  }
0x3b: {  	_ = 	snop  }
0x3c: {  	p2 =	seq.s32 s10, $0x1;
	s10 =	sld [smem:$0x3FB8]  }
0x3d: {  	_ =	shalt  }
0x3e: {  	_ =	shalt  }
0x3f: {  	_ =	shalt  }
0x40: {  	_ =	shalt  }
0x41: {  	_ =	shalt  }
0x42: {  	_ =	shalt  }
0x43: {  	_ =	shalt  }
0x44: {  	_ =	shalt  }
0x45: {  	_ =	shalt  }
0x46: {  	_ =	shalt  }
0x47: {  	_ =	shalt  }
0x48: {  	_ =	shalt  }
0x49: {  	_ =	shalt  }
0x4a: {  	_ =	shalt  }
0x4b: {  	_ =	shalt  }
0x4c: {  	_ =	shalt  }
0x4d: {  	_ =	shalt  }
0x4e: {  	_ =	shalt  }
0x4f: {  	_ =	shalt  }
0x50: {  	_ =	shalt  }
0x51: {  	_ =	shalt  }
0x52: {  	_ =	shalt  }
0x53: {  	_ =	shalt  }
0x54: {  	_ =	shalt  }
0x55: {  	_ =	shalt  }
0x56: {  	_ =	shalt  }
0x57: {  	_ =	shalt  }
0x58: {  	_ =	shalt  }
0x59: {  	_ =	shalt  }
0x5a: {  	_ =	shalt  }
0x5b: {  	_ =	shalt  }
0x5c: {  	_ =	shalt  }
0x5d: {  	_ =	shalt  }
0x5e: {  	_ =	shalt  }
0x5f: {  	_ =	shalt  }
0x60: {  	_ =	shalt  }
0x61: {  	_ =	shalt  }
0x62: {  	_ =	shalt  }
0x63: {  	_ =	shalt  }
0x64: {  	_ =	shalt  }
0x65: {  	_ =	shalt  }
0x66: {  	_ =	shalt  }
0x67: {  	_ =	shalt  }
0x68: {  	_ =	shalt  }
0x69: {  	_ =	shalt  }
0x6a: {  	_ =	shalt  }
0x6b: {  	_ =	shalt  }
0x6c: {  	_ =	shalt  }
0x6d: {  	_ =	shalt  }
0x6e: {  	_ =	shalt  }
0x6f: {  	_ =	shalt  }
0x70: {  	_ =	shalt  }
0x71: {  	_ =	shalt  }
0x72: {  	_ =	shalt  }
0x73: {  	_ =	shalt  }
0x74: {  	_ =	shalt  }
0x75: {  	_ =	shalt  }
0x76: {  	_ =	shalt  }
0x77: {  	_ =	shalt  }
0x78: {  	_ =	shalt  }
0x79: {  	_ =	shalt  }
0x7a: {  	_ =	shalt  }
0x7b: {  	_ =	shalt  }
0x7c: {  	_ =	shalt  }
0x7d: {  	_ =	shalt  }
0x7e: {  	_ =	shalt  }
0x7f: {  	_ =	shalt  }
0x80: {  	_ =	shalt  }
0x81: {  	_ =	shalt  }
0x82: {  	_ =	shalt  }
0x83: {  	_ =	shalt  }
0x84: {  	_ =	shalt  }
0x85: {  	_ =	shalt  }
0x86: {  	_ =	shalt  }
0x87: {  	_ =	shalt  }
.Lfunc_end0:
.L_simem_size_0:
called_computation_lowered:
.L_overlay_start_0:
0x88: {  	s2 =	sld [smem:$0x3FD9]  }
0x89: {  	s3 =	sld [smem:$0x3FFE];
	_ =	sdelay $0x1  }
0x8a: {  	s1 =	srdreg.scid  }
0x8b: {  	s0 =	sand.u32 $0x1, s1  }
0x8c: {  	s17 =	sshll.u32 s0, $0xA;
	s2 =	sadd.s32 s3, s2  }
0x8d: {  	s2 =	sadd.s32 s2, s17  }
0x8e: {  	[smem:$0x3FC4] =	sst s2  }
0x8f: {  	_ = 	snop  }
0x90: {  	s2 =	sld [smem:$0x3FC9]  }
0x91: {  	s18 =	sld [smem:$0x3FD0];
	(tm) =	ssettm $0x1  }
0x92: {  	s4 =	sld [smem:$0x3FFB];
	_ =	sdelay $0x3  }
0x93: {  	_ =	strace s4  }
0x94: {  	s4 =	sld [smem:$0x3FFC];
	_ =	sdelay $0x3  }
0x95: {  	_ =	strace s4  }
0x96: {  	s4 =	sld [smem:$0x3FFD];
	_ =	sdelay $0x3  }
0x97: {  	_ =	strace s4  }
0x98: {  	_ =	strace $0x8FFFFFFF  }
0x99: {  	s19 =	sld [smem:$0x3FDB];
	_ =	sdelay $0x1  }
0x9a: {  	s5 =	simm.s32 $_scs_section_size  }
0x9b: {  	s6 =	simm.s32 $_size__tile_overlayer_lowered;
	s7 =	simm.s32 $_tile_overlayer_lowered  }
0x9c: {  	s22 =	simm.s32 $0x1BFF;
	s21 =	sshll.u32 s7, $0x1;
	s4 =	sadd.s32 s5, s19  }
0x9d: {  	s8 =	simm.s32 $0x0;
	s20 =	sshll.u32 s6, $0x1;
	s6 =	sadd.s32 s21, s4  }
0x9e: {  	[timem:s8], [sflag:s22] =	dma.local [hbm:s6], s20  }
0x9f: {  	_ =	swait.ge [sflag:s22], s20  }
0xa0: {  	s5 =	ssub.s32 $0x0, s20;
	[sflag:s22] =	ssyncset.done $0x0  }
0xa1: {  	[sflag:s22] =	ssyncadd.s32 s5;
	_ =	sdelay $0x1  }
0xa2: {  	s23 =	simm.s32 $0x1B8B  }
0xa3: {  	_ =	swait.ge [sflag:s23], $0x1  }
0xa4: {  	[sflag:s23] =	ssyncset.done $0x0  }
0xa5: {  	s25 =	simm.s32 $0x1B8E;
	s24 =	sld [smem:$0x3FFE];
	[sflag:s23] =	ssyncadd.s32 $0xFFFFFFFF  }
0xa6: {  	s26 =	simm.s32 $execute0_lowered;
	[smem:$0x3FD2] =	sst s25  }
0xa7: {  	s6 =	sshll.u32 s26, $0x1;
	_ =	strace $0x80000046;
	[dreg:$0x1] =	wrdreg $0xFFFFFFFF  }
0xa8: {  	s28 =	simm.s32 $_size_execute0_lowered;
	s4 =	sadd.s32 s4, s6;
	[dreg:$0x0] =	wrdreg $0x0  }
0xa9: {  	s6 =	sshll.u32 s28, $0x1;
	[dreg:$0x2] =	wrdreg s4  }
0xaa: {  	[dreg:$0x3] =	wrdreg s6  }
0xab: {  	[dreg:$0x4] =	wrdreg $0xC0  }
0xac: {  	_ =	task [dreg:s8], $0x5FFFF  }
0xad: {  	[dreg:$0x1] =	wrdreg $0xFFFFFFFF  }
0xae: {  	[dreg:$0x0] =	wrdreg $0x60  }
0xaf: {  	[dreg:$0x2] =	wrdreg s2  }
0xb0: {  	[dreg:$0x3] =	wrdreg s18  }
0xb1: {  	[dreg:$0x4] =	wrdreg s24  }
0xb2: {  	[dreg:$0x5] =	wrdreg $0x9  }
0xb3: {  	_ =	task.clear_ibuf [dreg:s8], $0x6FFFF;
	_ =	strace $0x90000046  }
0xb4: {  	s29 =	simm.s32 $0x9;
	_ =	strace $0x80000048  }
0xb5: {  	_ =	swait.ge [sflag:s29], $0x1  }
0xb6: {  	[sflag:s29] =	ssyncadd.s32 $0xFFFFFFFF  }
0xb7: {  	_ =	strace $0x90000048  }
0xb8: {  	_ =	sfence  }
0xb9: {  	s30 =	sld [smem:$0x0];
	_ =	sdelay $0x2  }
0xba: {  	s31 =	sshll.u32 s1, $0xD;
	s1 =	sshrl.u32 s1, $0x2  }
0xbb: {  	s3 =	sand.u32 $0x4000, s31;
	s1 =	sadd.s32 s1, s30  }
0xbc: {  	s0 =	sor.u32 s3, s0;
	s1 =	sshll.u32 s1, $0x11  }
0xbd: {  	s0 =	sor.u32 s1, s0  }
0xbe: {  	s0 =	sadd.s32 $0x8F2B, s0  }
0xbf: {  	[sflag:s0] =	ssyncadd.remote.s32 $0x1  }
0xc0: {  	_ =	sfence.sel $0xFFFF  }
0xc1: {  	[dreg:$0x0] =	wrdreg $0xFFFFFFFF;
	(pc) =	sbr.abs _section_cstart, $3  }
0xc2: {  	[dreg:$0x1] =	wrdreg $0xFFFFFFFF  }
0xc3: {  	_ =	task.clear_ibuf [dreg:s8], $0x2FFFF;
	_ =	strace $0x9FFFFFFF  }
0xc4: {  	(tm) =	ssettm $0x7FFFFFFF  }
0xc5: {  	_ =	shalt  }
tec
execute0_lowered:
.L_overlay_start_1:
0x0: {  	(tag) =	ssettag $0x1  }
0x1: {  	s0 =	rddreg [dreg:$0x0]  }
0x2: {  	s1 =	rddreg [dreg:$0x1]  }
0x3: {  	s5 =	rddreg [dreg:$0x2]  }
0x4: {  	s3 =	srdreg.scid;
	s4 =	stileid.u32;
	s2 =	simm.s32 $0x0  }
0x5: {  	s11 =	simm.s32 $0x80;
	s12 =	simm.s32 $0xE00;
	s18 =	simm.s32 $0x4E00  }
0x6: {  	s13 =	simm.s32 $0x15E00;
	s14 =	simm.s32 $0xB00;
	s15 =	simm.s32 $0x16E00  }
0x7: {  	s16 =	simm.s32 $0xB80;
	s17 =	simm.s32 $0x17E00;
	s19 =	simm.s32 $0xC00  }
0x8: {  	s20 =	simm.s32 $0x18E00;
	s21 =	simm.s32 $0xC80;
	s22 =	simm.s32 $0x19E00  }
0x9: {  	s23 =	simm.s32 $0xD00;
	s24 =	simm.s32 $0x1AE00;
	s25 =	simm.s32 $0xD80  }
0xa: {  	s26 =	simm.s32 $0x1BE00;
	s28 =	simm.s32 $0x1;
	s29 =	simm.s32 $0x1CE00  }
0xb: {  	s3 =	sand.u32 $0x1, s3;
	s4 =	sshll.u32 s4, $0x1;
	[smem:$0x7FF] =	sst s2  }
0xc: {  	s30 =	simm.s32 $0x0;
	s6 =	sor.u32 s3, s4;
	_ =	strace $0x80000047  }
0xd: {  	s8 =	ssub.s32 $0x2, s3;
	s3 =	sadd.s32 $0x1313400, s5;
	s7 =	smul.u32 $0x180, s6  }
0xe: {  	s4 =	sadd.s32 $0xF42A00, s5;
	s9 =	sshrl.u32 s8, $0x1;
	s31 =	sshll.u32 s6, $0x6  }
0xf: {  	s8 =	ssub.s32 s8, s9;
	s9 =	simm.s32 $0x2;
	s10 =	sadd.s32 s7, s5  }
0x10: {  	s5 =	sadd.s32 s0, s31;
	s6 =	sadd.s32 s1, s7;
	s8 =	smax.u32 s8, $0x1  }
0x11: {  	v0 =	vlaneseq.u32;
	s1 =	simm.s32 $0xA80;
	s7 =	sadd.s32 $0x600, s10;
	s10 =	simm.s32 $0x200  }
.LBB2_1:
0x12: {  	[tilespmem:s2], [sflag:$0x2] =	stream.linear.gather [hbm4b:s5+s2], $0x200, $0x38;
	[tilespmem:$0x1DA00] =	vst v63  }
0x13: {  	_ =	swait.ge [sflag:s9], $0x200  }
0x14: {  	[sflag:s9] =	ssyncset.done $0x0  }
0x15: {  	[sflag:s9] =	ssyncadd.s32 $0xFFFFFE00  }
0x16: {  	[tilespmem:s10], [sflag:$0x2] =	stream.linear.gather [hbm4b:s6+s2], $0xC00, $0x38;
	[tilespmem:$0x1DA00] =	vst v63  }
0x17: {  	_ =	swait.ge [sflag:s9], $0xC00  }
0x18: {  	[sflag:s9] =	ssyncset.done $0x0  }
0x19: {  	[sflag:s9] =	ssyncadd.s32 $0xFFFFF400  }
0x1a: {  	[tilespmem:s12], [sflag:$0x1] =	stream.indirect.gather [hbm4b:s3+s11], $0x20, s2, s11, $0xb8;
	[tilespmem:$0x1DA00] =	vst v63  }
0x1b: {  	s31 =	simm.s32 $0x1E00  }
0x1c: {  	[tilespmem:s31], [sflag:$0x1] =	stream.indirect.gather [hbm4b:s3+s11], $0x20, s11, s11, $0xb8;
	[tilespmem:$0x1DA00] =	vst v63  }
0x1d: {  	s0 =	simm.s32 $0x2E00;
	s31 =	simm.s32 $0x100  }
0x1e: {  	[tilespmem:s0], [sflag:$0x1] =	stream.indirect.gather [hbm4b:s3+s11], $0x20, s31, s11, $0xb8;
	[tilespmem:$0x1DA00] =	vst v63  }
0x1f: {  	s0 =	simm.s32 $0x180;
	s31 =	simm.s32 $0x3E00  }
0x20: {  	[tilespmem:s31], [sflag:$0x1] =	stream.indirect.gather [hbm4b:s3+s11], $0x20, s0, s11, $0xb8;
	[tilespmem:$0x1DA00] =	vst v63  }
0x21: {  	_ = 	snop  }
0x22: {  	[tilespmem:s18], [sflag:$0x1] =	stream.indirect.gather [hbm4b:s4+s11], $0x20, s10, s11, $0xb8;
	[tilespmem:$0x1DA00] =	vst v63  }
0x23: {  	s0 =	simm.s32 $0x280;
	s31 =	simm.s32 $0x5E00  }
0x24: {  	[tilespmem:s31], [sflag:$0x1] =	stream.indirect.gather [hbm4b:s4+s11], $0x20, s0, s11, $0xb8;
	[tilespmem:$0x1DA00] =	vst v63  }
0x25: {  	s0 =	simm.s32 $0x300;
	s31 =	simm.s32 $0x6E00  }
0x26: {  	[tilespmem:s31], [sflag:$0x1] =	stream.indirect.gather [hbm4b:s4+s11], $0x20, s0, s11, $0xb8;
	[tilespmem:$0x1DA00] =	vst v63  }
0x27: {  	s0 =	simm.s32 $0x380;
	s31 =	simm.s32 $0x7E00  }
0x28: {  	[tilespmem:s31], [sflag:$0x1] =	stream.indirect.gather [hbm4b:s4+s11], $0x20, s0, s11, $0xb8;
	[tilespmem:$0x1DA00] =	vst v63  }
0x29: {  	s0 =	simm.s32 $0x400;
	s31 =	simm.s32 $0x8E00  }
0x2a: {  	[tilespmem:s31], [sflag:$0x1] =	stream.indirect.gather [hbm4b:s4+s11], $0x20, s0, s11, $0xb8;
	[tilespmem:$0x1DA00] =	vst v63  }
0x2b: {  	s0 =	simm.s32 $0x480;
	s31 =	simm.s32 $0x9E00  }
0x2c: {  	[tilespmem:s31], [sflag:$0x1] =	stream.indirect.gather [hbm4b:s4+s11], $0x20, s0, s11, $0xb8;
	[tilespmem:$0x1DA00] =	vst v63  }
0x2d: {  	s0 =	simm.s32 $0x500;
	s31 =	simm.s32 $0xAE00  }
0x2e: {  	[tilespmem:s31], [sflag:$0x1] =	stream.indirect.gather [hbm4b:s4+s11], $0x20, s0, s11, $0xb8;
	[tilespmem:$0x1DA00] =	vst v63  }
0x2f: {  	s0 =	simm.s32 $0x580;
	s31 =	simm.s32 $0xBE00  }
0x30: {  	[tilespmem:s31], [sflag:$0x1] =	stream.indirect.gather [hbm4b:s4+s11], $0x20, s0, s11, $0xb8;
	[tilespmem:$0x1DA00] =	vst v63  }
0x31: {  	s0 =	simm.s32 $0x600;
	s31 =	simm.s32 $0xCE00  }
0x32: {  	[tilespmem:s31], [sflag:$0x1] =	stream.indirect.gather [hbm4b:s4+s11], $0x20, s0, s11, $0xb8;
	[tilespmem:$0x1DA00] =	vst v63  }
0x33: {  	s0 =	simm.s32 $0x680;
	s31 =	simm.s32 $0xDE00  }
0x34: {  	[tilespmem:s31], [sflag:$0x1] =	stream.indirect.gather [hbm4b:s4+s11], $0x20, s0, s11, $0xb8;
	[tilespmem:$0x1DA00] =	vst v63  }
0x35: {  	s0 =	simm.s32 $0x700;
	s31 =	simm.s32 $0xEE00  }
0x36: {  	[tilespmem:s31], [sflag:$0x1] =	stream.indirect.gather [hbm4b:s4+s11], $0x20, s0, s11, $0xb8;
	[tilespmem:$0x1DA00] =	vst v63  }
0x37: {  	s0 =	simm.s32 $0x780;
	s31 =	simm.s32 $0xFE00  }
0x38: {  	[tilespmem:s31], [sflag:$0x1] =	stream.indirect.gather [hbm4b:s4+s11], $0x20, s0, s11, $0xb8;
	[tilespmem:$0x1DA00] =	vst v63  }
0x39: {  	s0 =	simm.s32 $0x800;
	s31 =	simm.s32 $0x10E00  }
0x3a: {  	[tilespmem:s31], [sflag:$0x1] =	stream.indirect.gather [hbm4b:s4+s11], $0x20, s0, s11, $0xb8;
	[tilespmem:$0x1DA00] =	vst v63  }
0x3b: {  	s0 =	simm.s32 $0x880;
	s31 =	simm.s32 $0x11E00  }
0x3c: {  	[tilespmem:s31], [sflag:$0x1] =	stream.indirect.gather [hbm4b:s4+s11], $0x20, s0, s11, $0xb8;
	[tilespmem:$0x1DA00] =	vst v63  }
0x3d: {  	s0 =	simm.s32 $0x900;
	s31 =	simm.s32 $0x12E00  }
0x3e: {  	[tilespmem:s31], [sflag:$0x1] =	stream.indirect.gather [hbm4b:s4+s11], $0x20, s0, s11, $0xb8;
	[tilespmem:$0x1DA00] =	vst v63  }
0x3f: {  	s0 =	simm.s32 $0x980;
	s31 =	simm.s32 $0x13E00  }
0x40: {  	[tilespmem:s31], [sflag:$0x1] =	stream.indirect.gather [hbm4b:s4+s11], $0x20, s0, s11, $0xb8;
	[tilespmem:$0x1DA00] =	vst v63  }
0x41: {  	s0 =	simm.s32 $0xA00;
	s31 =	simm.s32 $0x14E00  }
0x42: {  	[tilespmem:s31], [sflag:$0x1] =	stream.indirect.gather [hbm4b:s4+s11], $0x20, s0, s11, $0xb8;
	[tilespmem:$0x1DA00] =	vst v63  }
0x43: {  	_ = 	snop  }
0x44: {  	[tilespmem:s13], [sflag:$0x1] =	stream.indirect.gather [hbm4b:s4+s11], $0x20, s1, s11, $0xb8;
	[tilespmem:$0x1DA00] =	vst v63  }
0x45: {  	_ = 	snop  }
0x46: {  	[tilespmem:s15], [sflag:$0x1] =	stream.indirect.gather [hbm4b:s4+s11], $0x20, s14, s11, $0xb8;
	[tilespmem:$0x1DA00] =	vst v63  }
0x47: {  	_ = 	snop  }
0x48: {  	[tilespmem:s17], [sflag:$0x1] =	stream.indirect.gather [hbm4b:s4+s11], $0x20, s16, s11, $0xb8;
	[tilespmem:$0x1DA00] =	vst v63  }
0x49: {  	_ = 	snop  }
0x4a: {  	[tilespmem:s20], [sflag:$0x1] =	stream.indirect.gather [hbm4b:s4+s11], $0x20, s19, s11, $0xb8;
	[tilespmem:$0x1DA00] =	vst v63  }
0x4b: {  	_ = 	snop  }
0x4c: {  	[tilespmem:s22], [sflag:$0x1] =	stream.indirect.gather [hbm4b:s4+s11], $0x20, s21, s11, $0xb8;
	[tilespmem:$0x1DA00] =	vst v63  }
0x4d: {  	_ = 	snop  }
0x4e: {  	[tilespmem:s24], [sflag:$0x1] =	stream.indirect.gather [hbm4b:s4+s11], $0x20, s23, s11, $0xb8;
	[tilespmem:$0x1DA00] =	vst v63  }
0x4f: {  	_ = 	snop  }
0x50: {  	[tilespmem:s26], [sflag:$0x1] =	stream.indirect.gather [hbm4b:s4+s11], $0x20, s25, s11, $0xb8;
	[tilespmem:$0x1DA00] =	vst v63  }
0x51: {  	_ =	swait.ge [sflag:s28], $0x1000  }
0x52: {  	[sflag:s28] =	ssyncset.done $0x0  }
0x53: {  	[sflag:s28] =	ssyncadd.s32 $0xFFFFF000  }
0x54: {  	_ =	swait.ge [sflag:s28], $0x1000  }
0x55: {  	[sflag:s28] =	ssyncset.done $0x0  }
0x56: {  	[sflag:s28] =	ssyncadd.s32 $0xFFFFF000  }
0x57: {  	_ =	swait.ge [sflag:s28], $0x1000  }
0x58: {  	[sflag:s28] =	ssyncset.done $0x0  }
0x59: {  	[sflag:s28] =	ssyncadd.s32 $0xFFFFF000  }
0x5a: {  	_ =	swait.ge [sflag:s28], $0x1000  }
0x5b: {  	[sflag:s28] =	ssyncset.done $0x0  }
0x5c: {  	[sflag:s28] =	ssyncadd.s32 $0xFFFFF000  }
0x5d: {  	_ =	swait.ge [sflag:s28], $0x1000  }
0x5e: {  	[sflag:s28] =	ssyncset.done $0x0  }
0x5f: {  	[sflag:s28] =	ssyncadd.s32 $0xFFFFF000  }
0x60: {  	_ =	swait.ge [sflag:s28], $0x1000  }
0x61: {  	[sflag:s28] =	ssyncset.done $0x0  }
0x62: {  	[sflag:s28] =	ssyncadd.s32 $0xFFFFF000  }
0x63: {  	_ =	swait.ge [sflag:s28], $0x1000  }
0x64: {  	[sflag:s28] =	ssyncset.done $0x0  }
0x65: {  	[sflag:s28] =	ssyncadd.s32 $0xFFFFF000  }
0x66: {  	_ =	swait.ge [sflag:s28], $0x1000  }
0x67: {  	[sflag:s28] =	ssyncset.done $0x0  }
0x68: {  	[sflag:s28] =	ssyncadd.s32 $0xFFFFF000  }
0x69: {  	_ =	swait.ge [sflag:s28], $0x1000  }
0x6a: {  	[sflag:s28] =	ssyncset.done $0x0  }
0x6b: {  	[sflag:s28] =	ssyncadd.s32 $0xFFFFF000  }
0x6c: {  	_ =	swait.ge [sflag:s28], $0x1000  }
0x6d: {  	[sflag:s28] =	ssyncset.done $0x0  }
0x6e: {  	[sflag:s28] =	ssyncadd.s32 $0xFFFFF000  }
0x6f: {  	_ =	swait.ge [sflag:s28], $0x1000  }
0x70: {  	[sflag:s28] =	ssyncset.done $0x0  }
0x71: {  	[sflag:s28] =	ssyncadd.s32 $0xFFFFF000  }
0x72: {  	_ =	swait.ge [sflag:s28], $0x1000  }
0x73: {  	[sflag:s28] =	ssyncset.done $0x0  }
0x74: {  	[sflag:s28] =	ssyncadd.s32 $0xFFFFF000  }
0x75: {  	_ =	swait.ge [sflag:s28], $0x1000  }
0x76: {  	[sflag:s28] =	ssyncset.done $0x0  }
0x77: {  	[sflag:s28] =	ssyncadd.s32 $0xFFFFF000  }
0x78: {  	_ =	swait.ge [sflag:s28], $0x1000  }
0x79: {  	[sflag:s28] =	ssyncset.done $0x0  }
0x7a: {  	[sflag:s28] =	ssyncadd.s32 $0xFFFFF000  }
0x7b: {  	_ =	swait.ge [sflag:s28], $0x1000  }
0x7c: {  	[sflag:s28] =	ssyncset.done $0x0  }
0x7d: {  	[sflag:s28] =	ssyncadd.s32 $0xFFFFF000  }
0x7e: {  	_ =	swait.ge [sflag:s28], $0x1000  }
0x7f: {  	[sflag:s28] =	ssyncset.done $0x0  }
0x80: {  	[sflag:s28] =	ssyncadd.s32 $0xFFFFF000  }
0x81: {  	_ =	swait.ge [sflag:s28], $0x1000  }
0x82: {  	[sflag:s28] =	ssyncset.done $0x0  }
0x83: {  	[sflag:s28] =	ssyncadd.s32 $0xFFFFF000  }
0x84: {  	_ =	swait.ge [sflag:s28], $0x1000  }
0x85: {  	[sflag:s28] =	ssyncset.done $0x0  }
0x86: {  	[sflag:s28] =	ssyncadd.s32 $0xFFFFF000  }
0x87: {  	_ =	swait.ge [sflag:s28], $0x1000  }
0x88: {  	[sflag:s28] =	ssyncset.done $0x0  }
0x89: {  	[sflag:s28] =	ssyncadd.s32 $0xFFFFF000  }
0x8a: {  	_ =	swait.ge [sflag:s28], $0x1000  }
0x8b: {  	[sflag:s28] =	ssyncset.done $0x0  }
0x8c: {  	[sflag:s28] =	ssyncadd.s32 $0xFFFFF000  }
0x8d: {  	_ =	swait.ge [sflag:s28], $0x1000  }
0x8e: {  	[sflag:s28] =	ssyncset.done $0x0  }
0x8f: {  	[sflag:s28] =	ssyncadd.s32 $0xFFFFF000  }
0x90: {  	_ =	swait.ge [sflag:s28], $0x1000  }
0x91: {  	[sflag:s28] =	ssyncset.done $0x0  }
0x92: {  	[sflag:s28] =	ssyncadd.s32 $0xFFFFF000  }
0x93: {  	_ =	swait.ge [sflag:s28], $0x1000  }
0x94: {  	[sflag:s28] =	ssyncset.done $0x0  }
0x95: {  	[sflag:s28] =	ssyncadd.s32 $0xFFFFF000  }
0x96: {  	_ =	swait.ge [sflag:s28], $0x1000  }
0x97: {  	[sflag:s28] =	ssyncset.done $0x0  }
0x98: {  	[sflag:s28] =	ssyncadd.s32 $0xFFFFF000  }
0x99: {  	_ =	swait.ge [sflag:s28], $0x1000  }
0x9a: {  	[sflag:s28] =	ssyncset.done $0x0  }
0x9b: {  	[sflag:s28] =	ssyncadd.s32 $0xFFFFF000  }
0x9c: {  	_ =	swait.ge [sflag:s28], $0x1000  }
0x9d: {  	[sflag:s28] =	ssyncset.done $0x0  }
0x9e: {  	[sflag:s28] =	ssyncadd.s32 $0xFFFFF000  }
0x9f: {  	_ =	swait.ge [sflag:s28], $0x1000  }
0xa0: {  	[sflag:s28] =	ssyncset.done $0x0  }
0xa1: {  	[sflag:s28] =	ssyncadd.s32 $0xFFFFF000  }
0xa2: {  	_ =	swait.ge [sflag:s28], $0x1000  }
0xa3: {  	[sflag:s28] =	ssyncset.done $0x0  }
0xa4: {  	s31 =	simm.s32 $0x0;
	[sflag:s28] =	ssyncadd.s32 $0xFFFFF000  }
.LBB2_2:
0xa5: {  	v1 =	vor.u32 s31, v0  }
0xa6: {  	v11 =	vshll.u32 v1, $0x5;
	v9 =	vmul.u32 $0xC0, v1;
	_ =	sdelay $0x1  }
0xa7: {  	v14 =	vor.u32 $0x1, v11  }
0xa8: {  	v39 =	vor.u32 $0x2, v11  }
0xa9: {  	v58 =	vor.u32 $0x5, v11  }
0xaa: {  	v12 =	vor.u32 $0x20, v9;
	v13 =	vld.idx.msk [tilespmem:v11+s12+$0x0], $0xffff  }
0xab: {  	v16 =	vor.u32 $0x1, v9;
	v15 =	vld.idx.msk [tilespmem:v9+s18+$0x0], $0xffff  }
0xac: {  	v17 =	vor.u32 $0x21, v9;
	v29 =	vld.idx.msk [tilespmem:v14+s12+$0x0], $0xffff  }
0xad: {  	v40 =	vor.u32 $0x2, v9;
	v34 =	vld.idx.msk [tilespmem:v39+s12+$0x0], $0xffff  }
0xae: {  	v41 =	vor.u32 $0x22, v9;
	v14 =	vld.idx.msk [tilespmem:v58+s12+$0x0], $0xffff  }
0xaf: {  	v46 =	vor.u32 $0x3, v11;
	v12 =	vld.idx.msk [tilespmem:v12+s18+$0x0], $0xffff  }
0xb0: {  	v47 =	vor.u32 $0x3, v9;
	v26 =	vld.idx.msk [tilespmem:v16+s18+$0x0], $0xffff  }
0xb1: {  	v5 =	vmul.u32 $0x6, v1;
	v52 =	vor.u32 $0x4, v11;
	v27 =	vld.idx.msk [tilespmem:v17+s18+$0x0], $0xffff  }
0xb2: {  	v21 =	vor.u32 $0x4, v9;
	v35 =	vld.idx.msk [tilespmem:v40+s18+$0x0], $0xffff  }
0xb3: {  	v1 =	vadd.s32 $0x2, v5;
	v28 =	vor.u32 $0x25, v9;
	v36 =	vld.idx.msk [tilespmem:v41+s18+$0x0], $0xffff  }
0xb4: {  	v2 =	vadd.s32 $0x3, v5;
	v10 =	vshll.u32 v1, $0x5;
	v16 =	vld.idx.msk [tilespmem:v46+s12+$0x0], $0xffff  }
0xb5: {  	v3 =	vadd.s32 $0x4, v5;
	v8 =	vshll.u32 v2, $0x5;
	v41 =	vld.idx.msk [tilespmem:v47+s18+$0x0], $0xffff  }
0xb6: {  	v4 =	vadd.s32 $0x5, v5;
	v7 =	vshll.u32 v3, $0x5;
	v17 =	vld.idx.msk [tilespmem:v52+s12+$0x0], $0xffff  }
0xb7: {  	v6 =	vshll.u32 v4, $0x5;
	v47 =	vld.idx.msk [tilespmem:v21+s18+$0x0], $0xffff  }
0xb8: {  	v18 =	vor.u32 $0x1, v10;
	v28 =	vld.idx.msk [tilespmem:v28+s18+$0x0], $0xffff  }
0xb9: {  	v19 =	vor.u32 $0x1, v8;
	v22 =	vld.idx.msk [tilespmem:v10+s18+$0x0], $0xffff  }
0xba: {  	v37 =	vor.u32 $0x1, v7;
	v23 =	vld.idx.msk [tilespmem:v8+s18+$0x0], $0xffff  }
0xbb: {  	v38 =	vor.u32 $0x1, v6;
	v24 =	vld.idx.msk [tilespmem:v7+s18+$0x0], $0xffff  }
0xbc: {  	v42 =	vor.u32 $0x2, v10;
	v25 =	vld.idx.msk [tilespmem:v6+s18+$0x0], $0xffff  }
0xbd: {  	v43 =	vor.u32 $0x2, v8;
	v30 =	vld.idx.msk [tilespmem:v18+s18+$0x0], $0xffff  }
0xbe: {  	v44 =	vor.u32 $0x2, v7;
	v31 =	vld.idx.msk [tilespmem:v19+s18+$0x0], $0xffff  }
0xbf: {  	v45 =	vor.u32 $0x2, v6;
	v32 =	vld.idx.msk [tilespmem:v37+s18+$0x0], $0xffff  }
0xc0: {  	v20 =	vor.u32 $0x23, v9;
	v33 =	vld.idx.msk [tilespmem:v38+s18+$0x0], $0xffff  }
0xc1: {  	v48 =	vor.u32 $0x3, v10;
	v37 =	vld.idx.msk [tilespmem:v42+s18+$0x0], $0xffff  }
0xc2: {  	v49 =	vor.u32 $0x3, v8;
	v38 =	vld.idx.msk [tilespmem:v43+s18+$0x0], $0xffff  }
0xc3: {  	v50 =	vor.u32 $0x3, v7;
	v39 =	vld.idx.msk [tilespmem:v44+s18+$0x0], $0xffff  }
0xc4: {  	v51 =	vor.u32 $0x3, v6;
	v40 =	vld.idx.msk [tilespmem:v45+s18+$0x0], $0xffff  }
0xc5: {  	v53 =	vor.u32 $0x24, v9;
	v42 =	vld.idx.msk [tilespmem:v20+s18+$0x0], $0xffff  }
0xc6: {  	v54 =	vor.u32 $0x4, v10;
	v43 =	vld.idx.msk [tilespmem:v48+s18+$0x0], $0xffff  }
0xc7: {  	v55 =	vor.u32 $0x4, v8;
	v44 =	vld.idx.msk [tilespmem:v49+s18+$0x0], $0xffff  }
0xc8: {  	v56 =	vor.u32 $0x4, v7;
	v45 =	vld.idx.msk [tilespmem:v50+s18+$0x0], $0xffff  }
0xc9: {  	v57 =	vor.u32 $0x4, v6;
	v46 =	vld.idx.msk [tilespmem:v51+s18+$0x0], $0xffff  }
0xca: {  	v59 =	vor.u32 $0x5, v9;
	v48 =	vld.idx.msk [tilespmem:v53+s18+$0x0], $0xffff  }
0xcb: {  	v60 =	vor.u32 $0x5, v10;
	v49 =	vld.idx.msk [tilespmem:v54+s18+$0x0], $0xffff  }
0xcc: {  	v61 =	vor.u32 $0x5, v7;
	v50 =	vld.idx.msk [tilespmem:v55+s18+$0x0], $0xffff  }
0xcd: {  	v62 =	vor.u32 $0x5, v6;
	v51 =	vld.idx.msk [tilespmem:v56+s18+$0x0], $0xffff  }
0xce: {  	v52 =	vld.idx.msk [tilespmem:v57+s18+$0x0], $0xffff;
	v53 =	vor.u32 $0x5, v8  }
0xcf: {  	v54 =	vld.idx.msk [tilespmem:v59+s18+$0x0], $0xffff;
	v55 =	vor.u32 $0x6, v11;
	v15 =	vmul.f32 v15, v13  }
0xd0: {  	v21 =	vld.idx.msk [tilespmem:v60+s18+$0x0], $0xffff;
	v56 =	vor.u32 $0x6, v9;
	v58 =	vmul.f32 v12, v13;
	v26 =	vmul.f32 v26, v29  }
0xd1: {  	v18 =	vld.idx.msk [tilespmem:v61+s18+$0x0], $0xffff;
	v57 =	vor.u32 $0x6, v10;
	v35 =	vmul.f32 v35, v34;
	v36 =	vmul.f32 v36, v34  }
0xd2: {  	v19 =	vld.idx.msk [tilespmem:v62+s18+$0x0], $0xffff;
	v59 =	vor.u32 $0x6, v8;
	v28 =	vmul.f32 v28, v14;
	v60 =	vmul.f32 v22, v13  }
0xd3: {  	v23 =	vmul.f32 v23, v13;
	v15 =	vadd.f32 $0.0e+00, v15;
	v62 =	vmul.f32 v24, v13;
	v20 =	vld.idx.msk [tilespmem:v53+s18+$0x0], $0xffff  }
0xd4: {  	v63 =	vmul.f32 v25, v13;
	v13 =	vmul.f32 v27, v29;
	v53 =	vor.u32 $0x26, v9;
	v12 =	vld.idx.msk [tilespmem:v55+s12+$0x0], $0xffff  }
0xd5: {  	v55 =	vor.u32 $0x6, v7;
	v58 =	vadd.f32 $0.0e+00, v58;
	v22 =	vld.idx.msk [tilespmem:v56+s18+$0x0], $0xffff;
	v56 =	vor.u32 $0x6, v6  }
0xd6: {  	v24 =	vld.idx.msk [tilespmem:v57+s18+$0x0], $0xffff;
	v57 =	vor.u32 $0x7, v9;
	v30 =	vmul.f32 v30, v29;
	v31 =	vmul.f32 v31, v29  }
0xd7: {  	v25 =	vld.idx.msk [tilespmem:v59+s18+$0x0], $0xffff;
	v59 =	vor.u32 $0x27, v9;
	v32 =	vmul.f32 v32, v29;
	v29 =	vmul.f32 v33, v29  }
0xd8: {  	v38 =	vmul.f32 v38, v34;
	v39 =	vmul.f32 v39, v34;
	v60 =	vadd.f32 $0.0e+00, v60  }
0xd9: {  	v21 =	vmul.f32 v21, v14;
	v61 =	vadd.f32 $0.0e+00, v23;
	v15 =	vadd.f32 v26, v15  }
0xda: {  	v18 =	vmul.f32 v18, v14;
	v62 =	vadd.f32 $0.0e+00, v62;
	v58 =	vadd.f32 v13, v58  }
0xdb: {  	v30 =	vadd.f32 v30, v60;
	v31 =	vadd.f32 v31, v61;
	v60 =	vor.u32 $0x7, v6;
	v23 =	vld.idx.msk [tilespmem:v53+s18+$0x0], $0xffff  }
0xdc: {  	v32 =	vadd.f32 v32, v62;
	v62 =	vor.u32 $0x8, v9;
	v35 =	vadd.f32 v35, v15;
	v26 =	vld.idx.msk [tilespmem:v55+s18+$0x0], $0xffff  }
0xdd: {  	v15 =	vmul.f32 v37, v34;
	v34 =	vmul.f32 v40, v34;
	v40 =	vor.u32 $0x8, v6;
	v27 =	vld.idx.msk [tilespmem:v56+s18+$0x0], $0xffff  }
0xde: {  	v61 =	vadd.f32 $0.0e+00, v63;
	v63 =	vmul.f32 v44, v16;
	v53 =	vor.u32 $0x7, v11;
	v57 =	vld.idx.msk [tilespmem:v57+s18+$0x0], $0xffff  }
0xdf: {  	v36 =	vadd.f32 v36, v58;
	v55 =	vor.u32 $0x7, v10;
	v56 =	vor.u32 $0x7, v8;
	v33 =	vld.idx.msk [tilespmem:v59+s18+$0x0], $0xffff  }
0xe0: {  	v59 =	vor.u32 $0x8, v11;
	v29 =	vadd.f32 v29, v61;
	v30 =	vadd.f32 v15, v30;
	v58 =	vld.idx.msk [tilespmem:v60+s18+$0x0], $0xffff  }
0xe1: {  	v61 =	vor.u32 $0x28, v9;
	v31 =	vadd.f32 v38, v31;
	v32 =	vadd.f32 v39, v32;
	v38 =	vld.idx.msk [tilespmem:v62+s18+$0x0], $0xffff  }
0xe2: {  	v39 =	vmul.f32 v41, v16;
	v29 =	vadd.f32 v34, v29;
	v34 =	vmul.f32 v42, v16;
	v40 =	vld.idx.msk [tilespmem:v40+s18+$0x0], $0xffff  }
0xe3: {  	v31 =	vadd.f32 v63, v31;
	v63 =	vmul.f32 v46, v16;
	v46 =	vor.u32 $0x9, v7;
	v13 =	vld.idx.msk [tilespmem:v53+s12+$0x0], $0xffff  }
0xe4: {  	v35 =	vadd.f32 v39, v35;
	v39 =	vmul.f32 v43, v16;
	v60 =	vor.u32 $0x8, v8;
	v55 =	vld.idx.msk [tilespmem:v55+s18+$0x0], $0xffff  }
0xe5: {  	v62 =	vmul.f32 v45, v16;
	v45 =	vor.u32 $0x9, v8;
	v34 =	vadd.f32 v34, v36;
	v56 =	vld.idx.msk [tilespmem:v56+s18+$0x0], $0xffff  }
0xe6: {  	v29 =	vadd.f32 v63, v29;
	v63 =	vmul.f32 v50, v17;
	v50 =	vor.u32 $0x2A, v9;
	v15 =	vld.idx.msk [tilespmem:v59+s12+$0x0], $0xffff  }
0xe7: {  	v30 =	vadd.f32 v39, v30;
	v39 =	vmul.f32 v47, v17;
	v53 =	vor.u32 $0x7, v7;
	v41 =	vld.idx.msk [tilespmem:v61+s18+$0x0], $0xffff  }
0xe8: {  	v36 =	vmul.f32 v48, v17;
	v59 =	vor.u32 $0x8, v7;
	v61 =	vor.u32 $0x9, v11;
	v46 =	vld.idx.msk [tilespmem:v46+s18+$0x0], $0xffff  }
0xe9: {  	v32 =	vadd.f32 v62, v32;
	v62 =	vmul.f32 v49, v17;
	v35 =	vadd.f32 v39, v35;
	v43 =	vld.idx.msk [tilespmem:v60+s18+$0x0], $0xffff  }
0xea: {  	v31 =	vadd.f32 v63, v31;
	v63 =	vmul.f32 v54, v14;
	v54 =	vor.u32 $0xA, v7;
	v45 =	vld.idx.msk [tilespmem:v45+s18+$0x0], $0xffff  }
0xeb: {  	v30 =	vadd.f32 v62, v30;
	v62 =	vmul.f32 v52, v17;
	v60 =	vor.u32 $0x29, v9;
	v39 =	vld.idx.msk [tilespmem:v50+s18+$0x0], $0xffff  }
0xec: {  	v20 =	vmul.f32 v20, v14;
	v35 =	vadd.f32 v63, v35;
	v63 =	vor.u32 $0x2B, v9;
	v37 =	vld.idx.msk [tilespmem:v53+s18+$0x0], $0xffff  }
0xed: {  	v34 =	vadd.f32 v36, v34;
	v29 =	vadd.f32 v62, v29;
	v62 =	vor.u32 $0xB, v9;
	v44 =	vld.idx.msk [tilespmem:v59+s18+$0x0], $0xffff  }
0xee: {  	v23 =	vmul.f32 v23, v12;
	v14 =	vmul.f32 v19, v14;
	v53 =	vor.u32 $0x8, v10;
	v16 =	vld.idx.msk [tilespmem:v61+s12+$0x0], $0xffff  }
0xef: {  	v28 =	vadd.f32 v28, v34;
	v59 =	vor.u32 $0x9, v10;
	v61 =	vmul.f32 v51, v17;
	v19 =	vld.idx.msk [tilespmem:v54+s18+$0x0], $0xffff  }
0xf0: {  	v22 =	vmul.f32 v22, v12;
	v51 =	vor.u32 $0xA, v10;
	v48 =	vld.idx.msk [tilespmem:v60+s18+$0x0], $0xffff  }
0xf1: {  	v23 =	vadd.f32 v23, v28;
	v32 =	vadd.f32 v61, v32;
	v61 =	vor.u32 $0xB, v11;
	v28 =	vld.idx.msk [tilespmem:v63+s18+$0x0], $0xffff  }
0xf2: {  	v22 =	vadd.f32 v22, v35;
	v60 =	vor.u32 $0xA, v11;
	v35 =	vld.idx.msk [tilespmem:v62+s18+$0x0], $0xffff  }
0xf3: {  	v62 =	vor.u32 $0xB, v6;
	v42 =	vld.idx.msk [tilespmem:v53+s18+$0x0], $0xffff  }
0xf4: {  	v24 =	vmul.f32 v24, v12;
	v53 =	vor.u32 $0x9, v9;
	v49 =	vld.idx.msk [tilespmem:v59+s18+$0x0], $0xffff  }
0xf5: {  	v25 =	vmul.f32 v25, v12;
	v20 =	vadd.f32 v20, v31;
	v59 =	vor.u32 $0xA, v9;
	v34 =	vld.idx.msk [tilespmem:v51+s18+$0x0], $0xffff  }
0xf6: {  	v31 =	vor.u32 $0xB, v10;
	v21 =	vadd.f32 v21, v30;
	v29 =	vadd.f32 v14, v29;
	v14 =	vld.idx.msk [tilespmem:v61+s12+$0x0], $0xffff  }
0xf7: {  	v20 =	vadd.f32 v25, v20;
	v33 =	vmul.f32 v33, v13;
	v63 =	vor.u32 $0xC, v11;
	v17 =	vld.idx.msk [tilespmem:v60+s12+$0x0], $0xffff  }
0xf8: {  	v21 =	vadd.f32 v24, v21;
	v54 =	vor.u32 $0xD, v9;
	v60 =	vor.u32 $0xA, v6;
	v51 =	vld.idx.msk [tilespmem:v62+s18+$0x0], $0xffff  }
0xf9: {  	v18 =	vadd.f32 v18, v32;
	v61 =	vor.u32 $0xB, v7;
	v62 =	vmul.f32 v55, v13;
	v47 =	vld.idx.msk [tilespmem:v53+s18+$0x0], $0xffff  }
0xfa: {  	v55 =	vor.u32 $0xC, v6;
	v36 =	vld.idx.msk [tilespmem:v59+s18+$0x0], $0xffff;
	v59 =	vmul.f32 v26, v12;
	v12 =	vmul.f32 v27, v12  }
0xfb: {  	v23 =	vadd.f32 v33, v23;
	v53 =	vor.u32 $0x9, v6;
	v26 =	vld.idx.msk [tilespmem:v31+s18+$0x0], $0xffff;
	v31 =	vor.u32 $0xC, v9  }
0xfc: {  	v18 =	vadd.f32 v59, v18;
	v29 =	vadd.f32 v12, v29;
	v12 =	vld.idx.msk [tilespmem:v63+s12+$0x0], $0xffff;
	v59 =	vmul.f32 v37, v13  }
0xfd: {  	v21 =	vadd.f32 v62, v21;
	v63 =	vmul.f32 v56, v13;
	v32 =	vld.idx.msk [tilespmem:v60+s18+$0x0], $0xffff;
	v60 =	vor.u32 $0xB, v8  }
0xfe: {  	v62 =	vmul.f32 v41, v15;
	v50 =	vld.idx.msk [tilespmem:v61+s18+$0x0], $0xffff;
	v18 =	vadd.f32 v59, v18;
	v59 =	vor.u32 $0xD, v7  }
0xff: {  	v61 =	vor.u32 $0xC, v10;
	v20 =	vadd.f32 v63, v20;
	v63 =	vmul.f32 v42, v15;
	v42 =	vld.idx.msk [tilespmem:v55+s18+$0x0], $0xffff  }
0x100: {  	v27 =	vor.u32 $0x2C, v9;
	v56 =	vor.u32 $0x2D, v9;
	v52 =	vld.idx.msk [tilespmem:v53+s18+$0x0], $0xffff;
	v53 =	vor.u32 $0xA, v8  }
0x101: {  	v23 =	vadd.f32 v62, v23;
	v19 =	vmul.f32 v19, v17;
	v31 =	vld.idx.msk [tilespmem:v31+s18+$0x0], $0xffff;
	v62 =	vmul.f32 v47, v16  }
0x102: {  	v21 =	vadd.f32 v63, v21;
	v25 =	vld.idx.msk [tilespmem:v60+s18+$0x0], $0xffff;
	v60 =	vmul.f32 v57, v13;
	v57 =	vor.u32 $0xC, v8  }
0x103: {  	v13 =	vmul.f32 v58, v13;
	v58 =	vmul.f32 v43, v15;
	v43 =	vld.idx.msk [tilespmem:v59+s18+$0x0], $0xffff;
	v59 =	vor.u32 $0xE, v10  }
0x104: {  	v63 =	vmul.f32 v48, v16;
	v33 =	vld.idx.msk [tilespmem:v61+s18+$0x0], $0xffff;
	v22 =	vadd.f32 v60, v22;
	v60 =	vor.u32 $0xD, v11  }
0x105: {  	v61 =	vmul.f32 v38, v15;
	v30 =	vld.idx.msk [tilespmem:v53+s18+$0x0], $0xffff;
	v53 =	vor.u32 $0xC, v7;
	v13 =	vadd.f32 v13, v29  }
0x106: {  	v20 =	vadd.f32 v58, v20;
	v29 =	vld.idx.msk [tilespmem:v56+s18+$0x0], $0xffff;
	v58 =	vmul.f32 v49, v16;
	v56 =	vmul.f32 v36, v17  }
0x107: {  	v49 =	vor.u32 $0xF, v6;
	v22 =	vadd.f32 v61, v22;
	v61 =	vor.u32 $0xD, v6;
	v38 =	vld.idx.msk [tilespmem:v57+s18+$0x0], $0xffff  }
0x108: {  	v21 =	vadd.f32 v58, v21;
	v58 =	vmul.f32 v39, v17;
	v57 =	vor.u32 $0xD, v8;
	v39 =	vld.idx.msk [tilespmem:v59+s18+$0x0], $0xffff  }
0x109: {  	v22 =	vadd.f32 v62, v22;
	v62 =	vmul.f32 v46, v16;
	v37 =	vld.idx.msk [tilespmem:v60+s12+$0x0], $0xffff;
	v60 =	vmul.f32 v44, v15  }
0x10a: {  	v59 =	vor.u32 $0xF, v9;
	v41 =	vld.idx.msk [tilespmem:v53+s18+$0x0], $0xffff;
	v53 =	vor.u32 $0xD, v10;
	v15 =	vmul.f32 v40, v15  }
0x10b: {  	v27 =	vld.idx.msk [tilespmem:v27+s18+$0x0], $0xffff;
	v40 =	vor.u32 $0xE, v11;
	v22 =	vadd.f32 v56, v22;
	v18 =	vadd.f32 v60, v18  }
0x10c: {  	v44 =	vld.idx.msk [tilespmem:v54+s18+$0x0], $0xffff;
	v56 =	vor.u32 $0xF, v8;
	v13 =	vadd.f32 v15, v13;
	v15 =	vadd.f32 v63, v23  }
0x10d: {  	v60 =	vmul.f32 v45, v16;
	v45 =	vld.idx.msk [tilespmem:v61+s18+$0x0], $0xffff;
	v61 =	vor.u32 $0xE, v8;
	v63 =	vor.u32 $0xE, v7  }
0x10e: {  	v16 =	vmul.f32 v52, v16;
	v52 =	vor.u32 $0xE, v6;
	v48 =	vld.idx.msk [tilespmem:v57+s18+$0x0], $0xffff;
	v57 =	vor.u32 $0x2E, v9  }
0x10f: {  	v20 =	vadd.f32 v60, v20;
	v18 =	vadd.f32 v62, v18;
	v62 =	vmul.f32 v30, v17;
	v47 =	vld.idx.msk [tilespmem:v53+s18+$0x0], $0xffff  }
0x110: {  	v13 =	vadd.f32 v16, v13;
	v60 =	vmul.f32 v34, v17;
	v17 =	vmul.f32 v32, v17;
	v40 =	vld.idx.msk [tilespmem:v40+s12+$0x0], $0xffff  }
0x111: {  	v55 =	vmul.f32 v38, v12;
	v16 =	vadd.f32 v62, v20;
	v62 =	vmul.f32 v25, v14;
	v25 =	vld.idx.msk [tilespmem:v56+s18+$0x0], $0xffff  }
0x112: {  	v15 =	vadd.f32 v58, v15;
	v32 =	vor.u32 $0xF, v7;
	v13 =	vadd.f32 v17, v13;
	v17 =	vld.idx.msk [tilespmem:v49+s18+$0x0], $0xffff  }
0x113: {  	v58 =	vmul.f32 v28, v14;
	v53 =	vor.u32 $0xE, v9;
	v34 =	vld.idx.msk [tilespmem:v61+s18+$0x0], $0xffff;
	v61 =	vor.u32 $0x2F, v9  }
0x114: {  	v21 =	vadd.f32 v60, v21;
	v18 =	vadd.f32 v19, v18;
	v30 =	vld.idx.msk [tilespmem:v63+s18+$0x0], $0xffff;
	v63 =	vor.u32 $0xF, v10  }
0x115: {  	v60 =	vmul.f32 v26, v14;
	v15 =	vadd.f32 v58, v15;
	v36 =	vld.idx.msk [tilespmem:v57+s18+$0x0], $0xffff;
	v57 =	vor.u32 $0xF, v11  }
0x116: {  	v56 =	vmul.f32 v50, v14;
	v49 =	vor.u32 $0x10, v8;
	v58 =	vmul.f32 v31, v12;
	v24 =	vld.idx.msk [tilespmem:v52+s18+$0x0], $0xffff  }
0x117: {  	v50 =	vor.u32 $0x14, v10;
	v21 =	vadd.f32 v60, v21;
	v16 =	vadd.f32 v62, v16;
	v32 =	vld.idx.msk [tilespmem:v32+s18+$0x0], $0xffff  }
0x118: {  	v18 =	vadd.f32 v56, v18;
	v62 =	vmul.f32 v33, v12;
	v56 =	vor.u32 $0x11, v9;
	v28 =	vld.idx.msk [tilespmem:v61+s18+$0x0], $0xffff  }
0x119: {  	v60 =	vmul.f32 v27, v12;
	v54 =	vmul.f32 v48, v37;
	v26 =	vld.idx.msk [tilespmem:v63+s18+$0x0], $0xffff;
	v61 =	vor.u32 $0x10, v9  }
0x11a: {  	v21 =	vadd.f32 v62, v21;
	v63 =	vor.u32 $0x30, v9;
	v20 =	vld.idx.msk [tilespmem:v57+s12+$0x0], $0xffff;
	v57 =	vmul.f32 v35, v14  }
0x11b: {  	v52 =	vmul.f32 v47, v37;
	v35 =	vld.idx.msk [tilespmem:v59+s18+$0x0], $0xffff;
	v59 =	vor.u32 $0x10, v11;
	v14 =	vmul.f32 v51, v14  }
0x11c: {  	v23 =	vld.idx.msk [tilespmem:v53+s18+$0x0], $0xffff;
	v62 =	vmul.f32 v29, v37;
	v19 =	vadd.f32 v57, v22;
	v57 =	vor.u32 $0x10, v10  }
0x11d: {  	v53 =	vor.u32 $0x11, v6;
	v21 =	vadd.f32 v52, v21;
	v47 =	vld.idx.msk [tilespmem:v56+s18+$0x0], $0xffff;
	v13 =	vadd.f32 v14, v13  }
0x11e: {  	v14 =	vadd.f32 v60, v15;
	v15 =	vadd.f32 v55, v16;
	v55 =	vor.u32 $0x12, v11;
	v27 =	vld.idx.msk [tilespmem:v61+s18+$0x0], $0xffff  }
0x11f: {  	v52 =	vmul.f32 v39, v40;
	v56 =	vmul.f32 v43, v37;
	v61 =	vor.u32 $0x10, v6;
	v33 =	vld.idx.msk [tilespmem:v63+s18+$0x0], $0xffff  }
0x120: {  	v60 =	vmul.f32 v44, v37;
	v19 =	vadd.f32 v58, v19;
	v63 =	vor.u32 $0x11, v11;
	v31 =	vld.idx.msk [tilespmem:v59+s12+$0x0], $0xffff  }
0x121: {  	v21 =	vadd.f32 v52, v21;
	v58 =	vor.u32 $0x31, v9;
	v52 =	vmul.f32 v26, v20;
	v38 =	vld.idx.msk [tilespmem:v57+s18+$0x0], $0xffff  }
0x122: {  	v19 =	vadd.f32 v60, v19;
	v60 =	vmul.f32 v23, v40;
	v57 =	vmul.f32 v41, v12;
	v41 =	vld.idx.msk [tilespmem:v49+s18+$0x0], $0xffff  }
0x123: {  	v59 =	vor.u32 $0x10, v7;
	v12 =	vmul.f32 v42, v12;
	v39 =	vld.idx.msk [tilespmem:v55+s12+$0x0], $0xffff;
	v55 =	vor.u32 $0x12, v6  }
0x124: {  	v21 =	vadd.f32 v52, v21;
	v52 =	vor.u32 $0x14, v8;
	v19 =	vadd.f32 v60, v19;
	v44 =	vld.idx.msk [tilespmem:v61+s18+$0x0], $0xffff  }
0x125: {  	v60 =	vmul.f32 v35, v20;
	v18 =	vadd.f32 v57, v18;
	v61 =	vor.u32 $0x11, v8;
	v29 =	vld.idx.msk [tilespmem:v63+s12+$0x0], $0xffff  }
0x126: {  	v12 =	vadd.f32 v12, v13;
	v63 =	vor.u32 $0x11, v7;
	v13 =	vadd.f32 v62, v14;
	v48 =	vld.idx.msk [tilespmem:v58+s18+$0x0], $0xffff  }
0x127: {  	v57 =	vor.u32 $0x12, v9;
	v14 =	vadd.f32 v54, v15;
	v62 =	vmul.f32 v36, v40;
	v36 =	vld.idx.msk [tilespmem:v53+s18+$0x0], $0xffff  }
0x128: {  	v58 =	vmul.f32 v45, v37;
	v53 =	vor.u32 $0x12, v7;
	v54 =	vmul.f32 v34, v40;
	v45 =	vld.idx.msk [tilespmem:v50+s18+$0x0], $0xffff  }
0x129: {  	v16 =	vld.idx.msk [tilespmem:v59+s18+$0x0], $0xffff;
	v59 =	vor.u32 $0x11, v10;
	v19 =	vadd.f32 v60, v19;
	v18 =	vadd.f32 v56, v18  }
0x12a: {  	v60 =	vmul.f32 v27, v31;
	v12 =	vadd.f32 v58, v12;
	v13 =	vadd.f32 v62, v13;
	v26 =	vld.idx.msk [tilespmem:v55+s18+$0x0], $0xffff  }
0x12b: {  	v56 =	vmul.f32 v30, v40;
	v14 =	vadd.f32 v54, v14;
	v51 =	vmul.f32 v41, v31;
	v41 =	vld.idx.msk [tilespmem:v52+s18+$0x0], $0xffff  }
0x12c: {  	v58 =	vmul.f32 v24, v40;
	v62 =	vmul.f32 v28, v20;
	v55 =	vor.u32 $0x13, v7;
	v37 =	vld.idx.msk [tilespmem:v61+s18+$0x0], $0xffff  }
0x12d: {  	v54 =	vmul.f32 v25, v20;
	v19 =	vadd.f32 v60, v19;
	v23 =	vld.idx.msk [tilespmem:v63+s18+$0x0], $0xffff;
	v61 =	vor.u32 $0x12, v10  }
0x12e: {  	v49 =	vmul.f32 v38, v31;
	v18 =	vadd.f32 v56, v18;
	v63 =	vor.u32 $0x12, v8;
	v34 =	vld.idx.msk [tilespmem:v57+s18+$0x0], $0xffff  }
0x12f: {  	v12 =	vadd.f32 v58, v12;
	v13 =	vadd.f32 v62, v13;
	v57 =	vor.u32 $0x13, v11;
	v28 =	vld.idx.msk [tilespmem:v53+s18+$0x0], $0xffff  }
0x130: {  	v56 =	vmul.f32 v32, v20;
	v14 =	vadd.f32 v54, v14;
	v53 =	vor.u32 $0x13, v8;
	v42 =	vld.idx.msk [tilespmem:v59+s18+$0x0], $0xffff  }
0x131: {  	v58 =	vmul.f32 v17, v20;
	v62 =	vmul.f32 v33, v31;
	v59 =	vor.u32 $0x32, v9;
	v38 =	vld.idx.msk [tilespmem:v55+s18+$0x0], $0xffff  }
0x132: {  	v21 =	vadd.f32 v49, v21;
	v49 =	vor.u32 $0x15, v8;
	v55 =	vor.u32 $0x14, v6;
	v24 =	vld.idx.msk [tilespmem:v61+s18+$0x0], $0xffff  }
0x133: {  	v18 =	vadd.f32 v56, v18;
	v14 =	vadd.f32 v51, v14;
	v51 =	vor.u32 $0x15, v7;
	v35 =	vld.idx.msk [tilespmem:v63+s18+$0x0], $0xffff  }
0x134: {  	v12 =	vadd.f32 v58, v12;
	v16 =	vmul.f32 v16, v31;
	v61 =	vor.u32 $0x33, v9;
	v25 =	vld.idx.msk [tilespmem:v57+s12+$0x0], $0xffff  }
0x135: {  	v56 =	vmul.f32 v47, v29;
	v58 =	vmul.f32 v48, v29;
	v63 =	vor.u32 $0x13, v10;
	v33 =	vld.idx.msk [tilespmem:v53+s18+$0x0], $0xffff  }
0x136: {  	v16 =	vadd.f32 v16, v18;
	v57 =	vor.u32 $0x13, v6;
	v30 =	vld.idx.msk [tilespmem:v59+s18+$0x0], $0xffff;
	v60 =	vmul.f32 v42, v29  }
0x137: {  	v18 =	vadd.f32 v56, v19;
	v53 =	vor.u32 $0x14, v7;
	v48 =	vmul.f32 v23, v29;
	v23 =	vld.idx.msk [tilespmem:v55+s18+$0x0], $0xffff  }
0x138: {  	v52 =	vmul.f32 v34, v39;
	v19 =	vadd.f32 v60, v21;
	v60 =	vmul.f32 v28, v39;
	v28 =	vld.idx.msk [tilespmem:v51+s18+$0x0], $0xffff  }
0x139: {  	v59 =	vor.u32 $0x13, v9;
	v17 =	vld.idx.msk [tilespmem:v61+s18+$0x0], $0xffff  }
0x13a: {  	v18 =	vadd.f32 v52, v18;
	v52 =	vor.u32 $0x17, v11;
	v27 =	vld.idx.msk [tilespmem:v63+s18+$0x0], $0xffff  }
0x13b: {  	v13 =	vadd.f32 v62, v13;
	v61 =	vor.u32 $0x14, v9;
	v40 =	vld.idx.msk [tilespmem:v57+s18+$0x0], $0xffff  }
0x13c: {  	v63 =	vor.u32 $0x34, v9;
	v22 =	vld.idx.msk [tilespmem:v53+s18+$0x0], $0xffff  }
0x13d: {  	v13 =	vadd.f32 v58, v13;
	v57 =	vor.u32 $0x15, v11;
	v58 =	vmul.f32 v35, v39;
	v35 =	vld.idx.msk [tilespmem:v49+s18+$0x0], $0xffff  }
0x13e: {  	v54 =	vmul.f32 v44, v31;
	v53 =	vor.u32 $0x15, v6;
	v32 =	vld.idx.msk [tilespmem:v59+s18+$0x0], $0xffff  }
0x13f: {  	v56 =	vmul.f32 v24, v39;
	v59 =	vor.u32 $0x14, v11;
	v42 =	vld.idx.msk [tilespmem:v52+s12+$0x0], $0xffff  }
0x140: {  	v12 =	vadd.f32 v54, v12;
	v55 =	vor.u32 $0x16, v11;
	v54 =	vmul.f32 v30, v39;
	v31 =	vld.idx.msk [tilespmem:v61+s18+$0x0], $0xffff  }
0x141: {  	v62 =	vmul.f32 v37, v29;
	v19 =	vadd.f32 v56, v19;
	v56 =	vor.u32 $0x37, v9;
	v43 =	vld.idx.msk [tilespmem:v63+s18+$0x0], $0xffff  }
0x142: {  	v50 =	vmul.f32 v36, v29;
	v13 =	vadd.f32 v54, v13;
	v54 =	vor.u32 $0x17, v9;
	v29 =	vld.idx.msk [tilespmem:v57+s12+$0x0], $0xffff  }
0x143: {  	v14 =	vadd.f32 v62, v14;
	v62 =	vmul.f32 v26, v39;
	v61 =	vor.u32 $0x35, v9;
	v26 =	vld.idx.msk [tilespmem:v53+s18+$0x0], $0xffff  }
0x144: {  	v63 =	vor.u32 $0x15, v10;
	v20 =	vld.idx.msk [tilespmem:v59+s12+$0x0], $0xffff  }
0x145: {  	v57 =	vor.u32 $0x16, v9;
	v47 =	vmul.f32 v32, v25;
	v32 =	vld.idx.msk [tilespmem:v55+s12+$0x0], $0xffff  }
0x146: {  	v16 =	vadd.f32 v48, v16;
	v48 =	vor.u32 $0x16, v7;
	v39 =	vld.idx.msk [tilespmem:v56+s18+$0x0], $0xffff  }
0x147: {  	v59 =	vor.u32 $0x15, v9;
	v36 =	vld.idx.msk [tilespmem:v54+s18+$0x0], $0xffff  }
0x148: {  	v14 =	vadd.f32 v58, v14;
	v58 =	vor.u32 $0x17, v10;
	v30 =	vld.idx.msk [tilespmem:v61+s18+$0x0], $0xffff  }
0x149: {  	v49 =	vmul.f32 v17, v25;
	v54 =	vor.u32 $0x38, v9;
	v24 =	vld.idx.msk [tilespmem:v63+s18+$0x0], $0xffff  }
0x14a: {  	v51 =	vmul.f32 v27, v25;
	v53 =	vmul.f32 v33, v25;
	v61 =	vor.u32 $0x16, v10;
	v17 =	vld.idx.msk [tilespmem:v57+s18+$0x0], $0xffff  }
0x14b: {  	v55 =	vmul.f32 v38, v25;
	v63 =	vor.u32 $0x16, v8;
	v57 =	vmul.f32 v40, v25;
	v25 =	vld.idx.msk [tilespmem:v48+s18+$0x0], $0xffff  }
0x14c: {  	v12 =	vadd.f32 v50, v12;
	v48 =	vor.u32 $0x17, v6;
	v34 =	vld.idx.msk [tilespmem:v59+s18+$0x0], $0xffff  }
0x14d: {  	v19 =	vadd.f32 v51, v19;
	v56 =	vor.u32 $0x18, v10;
	v51 =	vmul.f32 v22, v20;
	v22 =	vld.idx.msk [tilespmem:v58+s18+$0x0], $0xffff  }
0x14e: {  	v46 =	vor.u32 $0x19, v9;
	v14 =	vadd.f32 v53, v14;
	v53 =	vmul.f32 v23, v20;
	v23 =	vld.idx.msk [tilespmem:v54+s18+$0x0], $0xffff  }
0x14f: {  	v12 =	vadd.f32 v62, v12;
	v59 =	vor.u32 $0x36, v9;
	v33 =	vld.idx.msk [tilespmem:v61+s18+$0x0], $0xffff  }
0x150: {  	v44 =	vor.u32 $0x19, v11;
	v50 =	vor.u32 $0x16, v6;
	v16 =	vadd.f32 v60, v16;
	v38 =	vld.idx.msk [tilespmem:v63+s18+$0x0], $0xffff  }
0x151: {  	v60 =	vor.u32 $0x17, v8;
	v12 =	vadd.f32 v57, v12;
	v57 =	vmul.f32 v30, v29;
	v30 =	vld.idx.msk [tilespmem:v48+s18+$0x0], $0xffff  }
0x152: {  	v62 =	vor.u32 $0x17, v7;
	v63 =	vmul.f32 v45, v20;
	v45 =	vmul.f32 v26, v29;
	v26 =	vld.idx.msk [tilespmem:v56+s18+$0x0], $0xffff  }
0x153: {  	v52 =	vor.u32 $0x18, v9;
	v58 =	vor.u32 $0x18, v8;
	v54 =	vmul.f32 v25, v32;
	v25 =	vld.idx.msk [tilespmem:v46+s18+$0x0], $0xffff  }
0x154: {  	v13 =	vadd.f32 v49, v13;
	v18 =	vadd.f32 v47, v18;
	v49 =	vmul.f32 v41, v20;
	v27 =	vld.idx.msk [tilespmem:v59+s18+$0x0], $0xffff  }
0x155: {  	v16 =	vadd.f32 v55, v16;
	v47 =	vor.u32 $0x39, v9;
	v59 =	vmul.f32 v31, v20;
	v31 =	vld.idx.msk [tilespmem:v50+s18+$0x0], $0xffff  }
0x156: {  	v14 =	vadd.f32 v49, v14;
	v49 =	vor.u32 $0x19, v10;
	v61 =	vmul.f32 v43, v20;
	v20 =	vld.idx.msk [tilespmem:v60+s18+$0x0], $0xffff  }
0x157: {  	v40 =	vor.u32 $0x1D, v10;
	v50 =	vor.u32 $0x18, v11;
	v55 =	vmul.f32 v34, v29;
	v34 =	vld.idx.msk [tilespmem:v62+s18+$0x0], $0xffff  }
0x158: {  	v16 =	vadd.f32 v51, v16;
	v51 =	vor.u32 $0x19, v8;
	v60 =	vor.u32 $0x18, v7;
	v21 =	vld.idx.msk [tilespmem:v58+s18+$0x0], $0xffff  }
0x159: {  	v62 =	vor.u32 $0x18, v6;
	v13 =	vadd.f32 v61, v13;
	v61 =	vmul.f32 v35, v29;
	v35 =	vld.idx.msk [tilespmem:v52+s18+$0x0], $0xffff  }
0x15a: {  	v12 =	vadd.f32 v53, v12;
	v19 =	vadd.f32 v63, v19;
	v63 =	vmul.f32 v28, v29;
	v28 =	vld.idx.msk [tilespmem:v44+s12+$0x0], $0xffff  }
0x15b: {  	v53 =	vor.u32 $0x19, v7;
	v17 =	vmul.f32 v17, v32;
	v58 =	vmul.f32 v36, v42;
	v36 =	vld.idx.msk [tilespmem:v49+s18+$0x0], $0xffff  }
0x15c: {  	v43 =	vor.u32 $0x1C, v11;
	v18 =	vadd.f32 v59, v18;
	v59 =	vmul.f32 v24, v29;
	v24 =	vld.idx.msk [tilespmem:v50+s12+$0x0], $0xffff  }
0x15d: {  	v13 =	vadd.f32 v57, v13;
	v57 =	vor.u32 $0x1A, v11;
	v48 =	vmul.f32 v27, v32;
	v27 =	vld.idx.msk [tilespmem:v60+s18+$0x0], $0xffff  }
0x15e: {  	v18 =	vadd.f32 v55, v18;
	v55 =	vor.u32 $0x19, v6;
	v50 =	vmul.f32 v33, v32;
	v33 =	vld.idx.msk [tilespmem:v62+s18+$0x0], $0xffff  }
0x15f: {  	v19 =	vadd.f32 v59, v19;
	v59 =	vor.u32 $0x1A, v9;
	v56 =	vmul.f32 v31, v32;
	v31 =	vld.idx.msk [tilespmem:v47+s18+$0x0], $0xffff  }
0x160: {  	v14 =	vadd.f32 v61, v14;
	v61 =	vor.u32 $0x3A, v9;
	v60 =	vmul.f32 v39, v42;
	v39 =	vld.idx.msk [tilespmem:v51+s18+$0x0], $0xffff  }
0x161: {  	v16 =	vadd.f32 v63, v16;
	v63 =	vor.u32 $0x1A, v10;
	v62 =	vmul.f32 v22, v42;
	v22 =	vld.idx.msk [tilespmem:v53+s18+$0x0], $0xffff  }
0x162: {  	v12 =	vadd.f32 v45, v12;
	v45 =	vor.u32 $0x1A, v8;
	v52 =	vmul.f32 v38, v32;
	v32 =	vld.idx.msk [tilespmem:v57+s12+$0x0], $0xffff  }
0x163: {  	v49 =	vor.u32 $0x1A, v6;
	v44 =	vmul.f32 v20, v42;
	v47 =	vor.u32 $0x1A, v7;
	v20 =	vld.idx.msk [tilespmem:v55+s18+$0x0], $0xffff  }
0x164: {  	v51 =	vor.u32 $0x1B, v11;
	v13 =	vadd.f32 v48, v13;
	v48 =	vmul.f32 v30, v42;
	v30 =	vld.idx.msk [tilespmem:v59+s18+$0x0], $0xffff  }
0x165: {  	v17 =	vadd.f32 v17, v18;
	v18 =	vadd.f32 v50, v19;
	v50 =	vmul.f32 v35, v24;
	v35 =	vld.idx.msk [tilespmem:v61+s18+$0x0], $0xffff  }
0x166: {  	v53 =	vor.u32 $0x1B, v9;
	v14 =	vadd.f32 v52, v14;
	v52 =	vmul.f32 v23, v24;
	v23 =	vld.idx.msk [tilespmem:v63+s18+$0x0], $0xffff  }
0x167: {  	v16 =	vadd.f32 v54, v16;
	v57 =	vor.u32 $0x1B, v10;
	v54 =	vmul.f32 v26, v24;
	v26 =	vld.idx.msk [tilespmem:v45+s18+$0x0], $0xffff  }
0x168: {  	v12 =	vadd.f32 v56, v12;
	v55 =	vor.u32 $0x3B, v9;
	v56 =	vmul.f32 v21, v24;
	v21 =	vld.idx.msk [tilespmem:v47+s18+$0x0], $0xffff  }
0x169: {  	v17 =	vadd.f32 v58, v17;
	v59 =	vor.u32 $0x1B, v8;
	v58 =	vmul.f32 v27, v24;
	v27 =	vld.idx.msk [tilespmem:v49+s18+$0x0], $0xffff  }
0x16a: {  	v46 =	vmul.f32 v34, v42;
	v13 =	vadd.f32 v60, v13;
	v60 =	vmul.f32 v33, v24;
	v24 =	vld.idx.msk [tilespmem:v51+s12+$0x0], $0xffff  }
0x16b: {  	v18 =	vadd.f32 v62, v18;
	v62 =	vmul.f32 v25, v28;
	v61 =	vor.u32 $0x1B, v7;
	v25 =	vld.idx.msk [tilespmem:v53+s18+$0x0], $0xffff  }
0x16c: {  	v16 =	vadd.f32 v46, v16;
	v14 =	vadd.f32 v44, v14;
	v63 =	vor.u32 $0x1B, v6;
	v34 =	vld.idx.msk [tilespmem:v57+s18+$0x0], $0xffff  }
0x16d: {  	v44 =	vmul.f32 v36, v28;
	v12 =	vadd.f32 v48, v12;
	v45 =	vor.u32 $0x1C, v9;
	v29 =	vld.idx.msk [tilespmem:v55+s18+$0x0], $0xffff  }
0x16e: {  	v42 =	vmul.f32 v31, v28;
	v47 =	vor.u32 $0x3C, v9;
	v48 =	vmul.f32 v22, v28;
	v37 =	vld.idx.msk [tilespmem:v59+s18+$0x0], $0xffff  }
0x16f: {  	v49 =	vor.u32 $0x1C, v10;
	v13 =	vadd.f32 v52, v13;
	v52 =	vmul.f32 v30, v32;
	v30 =	vld.idx.msk [tilespmem:v43+s12+$0x0], $0xffff  }
0x170: {  	v51 =	vor.u32 $0x1C, v8;
	v53 =	vor.u32 $0x1C, v7;
	v17 =	vadd.f32 v50, v17;
	v22 =	vld.idx.msk [tilespmem:v61+s18+$0x0], $0xffff  }
0x171: {  	v18 =	vadd.f32 v54, v18;
	v14 =	vadd.f32 v56, v14;
	v50 =	vmul.f32 v20, v28;
	v20 =	vld.idx.msk [tilespmem:v63+s18+$0x0], $0xffff  }
0x172: {  	v46 =	vmul.f32 v39, v28;
	v16 =	vadd.f32 v58, v16;
	v12 =	vadd.f32 v60, v12;
	v55 =	vld.idx.msk [tilespmem:v45+s18+$0x0], $0xffff  }
0x173: {  	v56 =	vor.u32 $0x1C, v6;
	v17 =	vadd.f32 v62, v17;
	v13 =	vadd.f32 v42, v13;
	v58 =	vld.idx.msk [tilespmem:v47+s18+$0x0], $0xffff  }
0x174: {  	v18 =	vadd.f32 v44, v18;
	v59 =	vor.u32 $0x1D, v11;
	v60 =	vmul.f32 v26, v32;
	v26 =	vld.idx.msk [tilespmem:v49+s18+$0x0], $0xffff  }
0x175: {  	v14 =	vadd.f32 v46, v14;
	v42 =	vor.u32 $0x1D, v8;
	v62 =	vmul.f32 v21, v32;
	v21 =	vld.idx.msk [tilespmem:v51+s18+$0x0], $0xffff  }
0x176: {  	v16 =	vadd.f32 v48, v16;
	v44 =	vor.u32 $0x1D, v7;
	v39 =	vmul.f32 v27, v32;
	v27 =	vld.idx.msk [tilespmem:v53+s18+$0x0], $0xffff  }
0x177: {  	v46 =	vor.u32 $0x1D, v6;
	v48 =	vor.u32 $0x1E, v11;
	v12 =	vadd.f32 v50, v12;
	v50 =	vld.idx.msk [tilespmem:v40+s18+$0x0], $0xffff  }
0x178: {  	v11 =	vor.u32 $0x1F, v11;
	v54 =	vmul.f32 v35, v32;
	v41 =	vmul.f32 v25, v24;
	v25 =	vld.idx.msk [tilespmem:v56+s18+$0x0], $0xffff  }
0x179: {  	v57 =	vmul.f32 v23, v32;
	v61 =	vor.u32 $0x1D, v9;
	v43 =	vmul.f32 v29, v24;
	v29 =	vld.idx.msk [tilespmem:v59+s12+$0x0], $0xffff  }
0x17a: {  	v63 =	vor.u32 $0x3D, v9;
	v51 =	vor.u32 $0x1E, v9;
	v17 =	vadd.f32 v52, v17;
	v53 =	vld.idx.msk [tilespmem:v42+s18+$0x0], $0xffff  }
0x17b: {  	v40 =	vor.u32 $0x1E, v6;
	v13 =	vadd.f32 v54, v13;
	v18 =	vadd.f32 v57, v18;
	v56 =	vld.idx.msk [tilespmem:v44+s18+$0x0], $0xffff  }
0x17c: {  	v6 =	vor.u32 $0x1F, v6;
	v14 =	vadd.f32 v60, v14;
	v16 =	vadd.f32 v62, v16;
	v59 =	vld.idx.msk [tilespmem:v46+s18+$0x0], $0xffff  }
0x17d: {  	v54 =	vor.u32 $0x3E, v9;
	v57 =	vor.u32 $0x1E, v10;
	v60 =	vor.u32 $0x1E, v8;
	v62 =	vld.idx.msk [tilespmem:v48+s12+$0x0], $0xffff  }
0x17e: {  	v10 =	vor.u32 $0x1F, v10;
	v8 =	vor.u32 $0x1F, v8;
	v12 =	vadd.f32 v39, v12;
	v11 =	vld.idx.msk [tilespmem:v11+s12+$0x0], $0xffff  }
0x17f: {  	v17 =	vadd.f32 v41, v17;
	v45 =	vmul.f32 v34, v24;
	v47 =	vmul.f32 v37, v24;
	v33 =	vld.idx.msk [tilespmem:v61+s18+$0x0], $0xffff  }
0x180: {  	v44 =	vor.u32 $0x1F, v9;
	v9 =	vor.u32 $0x3F, v9;
	v28 =	vld.idx.msk [tilespmem:v63+s18+$0x0], $0xffff;
	v49 =	vmul.f32 v22, v24  }
0x181: {  	v18 =	vadd.f32 v45, v18;
	v52 =	vmul.f32 v20, v24;
	v55 =	vmul.f32 v55, v30;
	v39 =	vld.idx.msk [tilespmem:v51+s18+$0x0], $0xffff  }
0x182: {  	v58 =	vmul.f32 v58, v30;
	v61 =	vmul.f32 v26, v30;
	v63 =	vor.u32 $0x1E, v7;
	v6 =	vld.idx.msk [tilespmem:v6+s18+$0x0], $0xffff  }
0x183: {  	v38 =	vmul.f32 v21, v30;
	v13 =	vadd.f32 v43, v13;
	v14 =	vadd.f32 v47, v14;
	v24 =	vld.idx.msk [tilespmem:v54+s18+$0x0], $0xffff  }
0x184: {  	v41 =	vmul.f32 v27, v30;
	v16 =	vadd.f32 v49, v16;
	v12 =	vadd.f32 v52, v12;
	v43 =	vld.idx.msk [tilespmem:v57+s18+$0x0], $0xffff  }
0x185: {  	v7 =	vor.u32 $0x1F, v7;
	v17 =	vadd.f32 v55, v17;
	v18 =	vadd.f32 v61, v18;
	v46 =	vld.idx.msk [tilespmem:v60+s18+$0x0], $0xffff  }
0x186: {  	v42 =	vmul.f32 v25, v30;
	v10 =	vld.idx.msk [tilespmem:v10+s18+$0x0], $0xffff;
	v61 =	vor.u32 $0x1, v5;
	v13 =	vadd.f32 v58, v13  }
0x187: {  	v8 =	vld.idx.msk [tilespmem:v8+s18+$0x0], $0xffff;
	v14 =	vadd.f32 v38, v14;
	v49 =	vmul.f32 v50, v29;
	v51 =	vmul.f32 v53, v29  }
0x188: {  	v16 =	vadd.f32 v41, v16;
	v50 =	vld.idx.msk [tilespmem:v40+s18+$0x0], $0xffff;
	v52 =	vmul.f32 v56, v29;
	v54 =	vmul.f32 v59, v29  }
0x189: {  	v12 =	vadd.f32 v42, v12;
	v53 =	vld.idx.msk [tilespmem:v44+s18+$0x0], $0xffff;
	v45 =	vmul.f32 v33, v29;
	v47 =	vmul.f32 v28, v29  }
0x18a: {  	v9 =	vld.idx.msk [tilespmem:v9+s18+$0x0], $0xffff;
	v21 =	vmul.f32 v39, v62;
	v18 =	vadd.f32 v49, v18;
	v14 =	vadd.f32 v51, v14  }
0x18b: {  	v48 =	vld.idx.msk [tilespmem:v63+s18+$0x0], $0xffff;
	v16 =	vadd.f32 v52, v16;
	v12 =	vadd.f32 v54, v12;
	v6 =	vmul.f32 v6, v11  }
0x18c: {  	v7 =	vld.idx.msk [tilespmem:v7+s18+$0x0], $0xffff;
	v17 =	vadd.f32 v45, v17;
	v55 =	vmul.f32 v24, v62;
	v56 =	vmul.f32 v43, v62  }
0x18d: {  	v13 =	vadd.f32 v47, v13;
	v59 =	vmul.f32 v46, v62;
	v10 =	vmul.f32 v10, v11  }
0x18e: {  	v8 =	vmul.f32 v8, v11;
	v57 =	vadd.f32 v21, v17;
	v20 =	vmul.f32 v53, v11  }
0x18f: {  	v13 =	vadd.f32 v55, v13;
	v58 =	vadd.f32 v56, v18;
	v9 =	vmul.f32 v9, v11  }
0x190: {  	v14 =	vadd.f32 v59, v14;
	v60 =	vmul.f32 v48, v62;
	v15 =	vadd.f32 v20, v57  }
0x191: {  	v62 =	vmul.f32 v50, v62;
	v7 =	vmul.f32 v7, v11;
	v9 =	vadd.f32 v9, v13  }
0x192: {  	p0 =	sne.s32 s31, $0x1F0;
	v10 =	vadd.f32 v10, v58;
	v16 =	vadd.f32 v60, v16;
	[tilespmem:v5+s29+$0x0] =	vst.idx.msk $0xffff, v15  }
.Ltmp0:
0x193: {  	v63 =	vadd.f32 v8, v14;
	v12 =	vadd.f32 v62, v12;
	[tilespmem:v61+s29+$0x0] =	vst.idx.msk $0xffff, v9;
	(pc) =	sbr.rel @p0 .LBB2_2-.Ltmp0, $4  }
0x194: {  	v7 =	vadd.f32 v7, v16;
	[tilespmem:v1+s29+$0x0] =	vst.idx.msk $0xffff, v10  }
0x195: {  	v1 =	vadd.f32 v6, v12;
	[tilespmem:v2+s29+$0x0] =	vst.idx.msk $0xffff, v63  }
0x196: {  	[tilespmem:v3+s29+$0x0] =	vst.idx.msk $0xffff, v7  }
0x197: {  	s31 =	sadd.s32 $0x10, s31;
	[tilespmem:v4+s29+$0x0] =	vst.idx.msk $0xffff, v1  }
0x198: {  	s30 =	sadd.s32 $0x1, s30  }
0x199: {  	p0 =	sne.s32 s30, s8  }
.Ltmp1:
0x19a: {  	_ = 	snop;
	(pc) =	sbr.rel @p0 .LBB2_1-.Ltmp1, $4  }
0x19b: {  	[hbm4b:s7+s2] =	stream.linear.scatter [tilespmem:s29], [sflag:$0x2], $0xC00, $0x38;
	[tilespmem:$0x1DA00] =	vst v63  }
0x19c: {  	_ =	swait.ge [sflag:s9], $0xC00  }
0x19d: {  	[sflag:s9] =	ssyncset.done $0x0  }
0x19e: {  	[sflag:s9] =	ssyncadd.s32 $0xFFFFF400  }
0x19f: {  	_ =	sfence.sel $0x180000  }
0x1a0: {  	[bflag:$0x0] =	sbarrier.arrive $0xFFFF  }
0x1a1: {  	_ =	strace $0x90000047  }
0x1a2: {  	s0 =	stileid.u32;
	[bflag:$0x2] =	sbarrier.arrive $0xFFFF  }
0x1a3: {  	p0 =	sne.s32 s0, $0x0;
	s0 =	rddreg [dreg:$0x3]  }
0x1a4: {  	s0 =	sadd.s32 @!p0 $0x100000, s0  }
0x1a5: {  	[sflag:s0] =	ssyncadd.tile.s32 @!p0 $0x1;
	_ =	shalt  }
.Lfunc_end2:
_tile_overlayer_lowered:
.L_overlay_start_2:
0x1a6: {  	(tag) =	ssettag $0x2  }
0x1a7: {  	s0 =	rddreg [dreg:$0x0];
	s2 =	stileid.u32  }
0x1a8: {  	s1 =	rddreg [dreg:$0x1];
	p0 =	sne.s32 s2, $0x0  }
0x1a9: {  	s3 =	rddreg [dreg:$0x2];
	[bflag:$0x3] =	sbarrier.arrive $0xFFFF;
	s2 =	simm.s32 @!p0 $0x1C02  }
0x1aa: {  	[timem:s3], [sflag:s2] =	dma.local @!p0 [hbm:s0], s1  }
0x1ab: {  	s0 =	simm.s32 @!p0 $0x2  }
0x1ac: {  	_ =	swait.ge @!p0 [sflag:s0], s1  }
0x1ad: {  	s1 =	ssub.s32 @!p0 $0x0, s1;
	[sflag:s0] =	ssyncset.done @!p0 $0x0  }
0x1ae: {  	[sflag:s0] =	ssyncadd.s32 @!p0 s1  }
0x1af: {  	[bflag:$0x3] =	sbarrier.arrive $0xFFFF  }
0x1b0: {  	_ =	shalt  }

</sc_bundles>
